<compile_context>
chip_gen: v7x
topology: tpu7x:2x2x1
jax: 0.10.2.dev20260603
libtpu: 0.0.44.dev20260713+nightly
codegen_flags: <defaults>
</compile_context>

<pallas_src>
import functools

import jax
import jax.numpy as jnp
from jax import lax
from jax.experimental import pallas as pl
from jax.experimental.pallas import tpu as pltpu
from jax.experimental.pallas import tpu_sc as plsc

_B, _N, _D, _K = 4, 576, 64, 512
_EPS = 1e-6
_L = 16
_NC, _NS = 2, 16
_NW = _NC * _NS
_WPI = _NW // _B
_NR = _N // _WPI
_DR = _D // _WPI
_KQ = _K // _WPI
_KG = _K // _L
_PSZ = 5 * _L


def _lanesum(v):
    lanes = lax.iota(jnp.int32, _L)
    for sh in (8, 4, 2, 1):
        v = v + v.at[jnp.bitwise_xor(lanes, sh)].get(mode="promise_in_bounds")
    return v


def _rsqrt_nr(x):
    xi = lax.bitcast_convert_type(x, jnp.int32)
    yi = jnp.int32(0x5F3759DF) - lax.shift_right_logical(xi, 1)
    y = lax.bitcast_convert_type(yi, jnp.float32)
    half = x * 0.5
    for _ in range(2):
        y = y * (1.5 - half * y * y)
    return y


@functools.partial(
    pl.kernel,
    out_type=(
        jax.ShapeDtypeStruct((_B, _D, _K), jnp.float32),
        jax.ShapeDtypeStruct((_B, _K), jnp.float32),
    ),
    mesh=plsc.VectorSubcoreMesh(core_axis_name="c", subcore_axis_name="s"),
    scratch_types=[
        pltpu.VMEM((_NR * _D,), jnp.float32),
        pltpu.VMEM((_N + _L,), jnp.float32),
        pltpu.VMEM((_DR, _K), jnp.float32),
        pltpu.VMEM((_DR, _K), jnp.float32),
        pltpu.VMEM((_KQ,), jnp.float32),
        pltpu.VMEM((_D + _L,), jnp.float32),
        pltpu.VMEM((_PSZ,), jnp.float32),
        pltpu.VMEM((_WPI * _PSZ,), jnp.float32),
        pltpu.VMEM((_K,), jnp.float32),
        pltpu.VMEM((_WPI * _KQ,), jnp.float32),
        pltpu.VMEM((_KQ,), jnp.float32),
        pltpu.VMEM((_K,), jnp.float32),
        pltpu.VMEM_SHARED((_NS * _PSZ,), jnp.float32),
        pltpu.VMEM_SHARED((_NS * _K,), jnp.float32),
        pltpu.VMEM_SHARED((_NS * _KQ,), jnp.float32),
        pltpu.SemaphoreType.DMA,
        pltpu.SemaphoreType.DMA,
    ],
)
def _grouping_sc(feat_hbm, att_hbm, cent_hbm, grouped_hbm, weights_hbm,
                 feat_v, att_v, cent_v, desc_v, wout_v, vtmp_v, part_v,
                 comb_v, ss_v, ssq_v, scl_v, scale_v, board1, board2,
                 board3, in_sem, cent_sem):
    c = lax.axis_index("c")
    s = lax.axis_index("s")
    w = c * _NS + s
    b = w // _WPI
    q = lax.rem(w, _WPI)

    feat_cp = pltpu.async_copy(
        feat_hbm.at[pl.ds(b * (_N * _D) + q * (_NR * _D), _NR * _D)], feat_v,
        in_sem)
    att_cp = pltpu.async_copy(
        att_hbm.at[pl.ds(b * _N, _N)], att_v.at[pl.ds(0, _N)], in_sem)
    cent_cp = pltpu.async_copy(
        cent_hbm.at[pl.ds(q * _DR, _DR)], cent_v, cent_sem)
    feat_cp.wait()
    att_cp.wait()

    zero = jnp.zeros((_L,), jnp.float32)
    zidx = jnp.zeros((_L,), jnp.int32)
    att_base = q * _NR

    def red_body(n, carry):
        a0, a1, a2, a3 = carry
        attn = att_v[pl.ds(att_base + n, _L)]
        aB = attn.at[zidx].get(mode="promise_in_bounds")
        base = n * _D
        a0 = a0 + aB * feat_v[pl.ds(base, _L)]
        a1 = a1 + aB * feat_v[pl.ds(base + _L, _L)]
        a2 = a2 + aB * feat_v[pl.ds(base + 2 * _L, _L)]
        a3 = a3 + aB * feat_v[pl.ds(base + 3 * _L, _L)]
        return (a0, a1, a2, a3)

    v0, v1, v2, v3 = lax.fori_loop(0, _NR, red_body, (zero, zero, zero, zero))

    ntail = (_NR // _L) * _L
    s_vec = zero
    for g in range(_NR // _L):
        s_vec = s_vec + att_v[pl.ds(att_base + g * _L, _L)]
    tail = att_v[pl.ds(att_base + ntail, _L)]
    s_vec = s_vec + jnp.where(lax.iota(jnp.int32, _L) < (_NR - ntail), tail,
                              0.0)

    part_v[pl.ds(0, _L)] = v0
    part_v[pl.ds(_L, _L)] = v1
    part_v[pl.ds(2 * _L, _L)] = v2
    part_v[pl.ds(3 * _L, _L)] = v3
    part_v[pl.ds(4 * _L, _L)] = s_vec
    pltpu.sync_copy(part_v, board1.at[pl.ds(s * _PSZ, _PSZ)])
    plsc.subcore_barrier()
    img8 = (s // _WPI) * _WPI
    pltpu.sync_copy(board1.at[pl.ds(img8 * _PSZ, _WPI * _PSZ)], comb_v)

    def comb(slot):
        acc = comb_v[pl.ds(slot * _L, _L)]
        for r in range(1, _WPI):
            acc = acc + comb_v[pl.ds(r * _PSZ + slot * _L, _L)]
        return acc

    for slot in range(4):
        vtmp_v[pl.ds(slot * _L, _L)] = comb(slot)
    s_tot = _lanesum(comb(4))

    wv = s_tot * (1.0 / _N)
    for j in range(_KQ // _L):
        wout_v[pl.ds(j * _L, _L)] = wv

    vB = []
    for j in range(_DR):
        vslice = vtmp_v[pl.ds(q * _DR + j, _L)]
        vB.append(vslice.at[zidx].get(mode="promise_in_bounds"))

    cent_cp.wait()

    def col_body(cg, carry):
        ss = zero
        for j in range(_DR):
            dcol = vB[j] - s_tot * cent_v[j, pl.ds(cg * _L, _L)]
            desc_v[j, pl.ds(cg * _L, _L)] = dcol
            ss = ss + dcol * dcol
        ss_v[pl.ds(cg * _L, _L)] = ss
        return carry

    lax.fori_loop(0, _KG, col_body, jnp.int32(0))

    pltpu.sync_copy(ss_v, board2.at[pl.ds(s * _K, _K)])
    plsc.subcore_barrier()
    kq = q * _KQ
    cps = []
    for r in range(_WPI):
        cps.append(pltpu.async_copy(
            board2.at[pl.ds((img8 + r) * _K + kq, _KQ)],
            ssq_v.at[pl.ds(r * _KQ, _KQ)], in_sem))
    for cp in cps:
        cp.wait()
    for cg in range(_KQ // _L):
        ssv = ssq_v[pl.ds(cg * _L, _L)]
        for r in range(1, _WPI):
            ssv = ssv + ssq_v[pl.ds(r * _KQ + cg * _L, _L)]
        norm = ssv * _rsqrt_nr(ssv)
        scl_v[pl.ds(cg * _L, _L)] = 1.0 / (norm + _EPS)
    pltpu.sync_copy(scl_v, board3.at[pl.ds(s * _KQ, _KQ)])
    plsc.subcore_barrier()
    pltpu.sync_copy(board3.at[pl.ds(img8 * _KQ, _WPI * _KQ)], scale_v)

    def norm_body(cg, carry):
        scale = scale_v[pl.ds(cg * _L, _L)]
        for j in range(_DR):
            desc_v[j, pl.ds(cg * _L, _L)] = (
                desc_v[j, pl.ds(cg * _L, _L)] * scale)
        return carry

    lax.fori_loop(0, _KG, norm_body, jnp.int32(0))

    out_cp = pltpu.async_copy(
        desc_v, grouped_hbm.at[b, pl.ds(q * _DR, _DR)], in_sem)
    w_cp = pltpu.async_copy(
        wout_v, weights_hbm.at[b, pl.ds(q * _KQ, _KQ)], in_sem)
    out_cp.wait()
    w_cp.wait()


def kernel(features, attentions, centroids):
    B, N, D = features.shape
    K = centroids.shape[0]
    g_t, wts = _grouping_sc(
        features.reshape(B * N * D),
        attentions.reshape(B * N),
        centroids.T,
    )
    return jnp.transpose(g_t, (0, 2, 1)), wts

# --- scband reference (transcript-rebuilt; emitter-appended) ---
"""Pipeline reference for scband-grouping-39694087750125 (READ-ONLY COPY).

The authoritative reference and input builder live on the scoring server;
editing this copy changes nothing except your own understanding.
"""

import jax, jax.numpy as jnp
import numpy as np

B, N, D, K = 4, 576, 64, 512
EPS = 1e-06


def setup_inputs(seed: int = 0) -> dict:
    key = jax.random.key(seed)
    k1, k2, k3 = jax.random.split(key, 3)
    features = jax.random.normal(k1, (B, N, D), dtype=jnp.float32)
    attentions = jax.random.uniform(k2, (B, N, 1), dtype=jnp.float32)
    centroids = jax.random.normal(k3, (K, D), dtype=jnp.float32)
    return {"features": features, "attentions": attentions, "centroids": centroids}


def _cdist(a, b):
    # torch.cdist(a, b): pairwise L2 distances, a: [N, D], b: [K, D] -> [N, K]
    d2 = jnp.sum((a[:, None, :] - b[None, :, :]) ** 2, axis=-1)
    return jnp.sqrt(jnp.maximum(d2, 0.0))


def reference(features, attentions, centroids):
    # Grouping with nearest='all' (dense soft-assign path of assign_features),
    # features='resatt', assignment='uniform', descriptor='l2norm', weights='avgassatt'.
    # features: [B, N, D] (each image's feats flattened to [N, D] rows),
    # attentions: [B, N, 1], centroids: [K, D].
    def per_image(feat, att):
        dst = _cdist(feat, centroids)                       # [N, K]
        ass = jnp.ones_like(dst)                            # assignment 'uniform'
        # feature_function 'resatt': att * (x - c) with x:[N,1,D], att:[N,1,1], c:[K,D]
        f = att[:, None, :] * (feat[:, None, :] - centroids[None, :, :])  # [N, K, D]
        desc = jnp.sum(f * ass[:, :, None], axis=0)         # [K, D]
        # descriptor_function 'l2norm': d / (||d||_2 + 1e-6) per centroid row
        grouped = desc / (jnp.linalg.norm(desc, axis=1, keepdims=True) + EPS)
        # weight_function 'avgassatt': (ass * att).mean(dim=0)
        weights = jnp.mean(ass * att, axis=0)               # [K]
        return grouped, weights

    grouped, weights = jax.vmap(per_image)(features, attentions)
    return grouped, weights

if __name__ == "__main__":
    import jax
    _d = setup_inputs()
    print(jax.jit(kernel)(*tuple(_d.values())))

</pallas_src>

<mosaic_0001>
#map = affine_map<(d0, d1) -> (0)>
#map1 = affine_map<(d0, d1) -> (0, 0)>
#map2 = affine_map<(d0, d1) -> (0, 0, 0)>
module attributes {stable_mosaic.version = 14 : i64} {
  func.func @_grouping_sc(%arg0: i32, %arg1: i32, %arg2: memref<147456xf32, #tpu.memory_space<hbm>>, %arg3: memref<2304xf32, #tpu.memory_space<hbm>>, %arg4: memref<64x512xf32, #tpu.memory_space<hbm>>, %arg5: memref<4x64x512xf32, #tpu.memory_space<hbm>>, %arg6: memref<4x512xf32, #tpu.memory_space<hbm>>, %arg7: memref<4608xf32, #tpu.memory_space<vmem>>, %arg8: memref<592xf32, #tpu.memory_space<vmem>>, %arg9: memref<8x512xf32, #tpu.memory_space<vmem>>, %arg10: memref<8x512xf32, #tpu.memory_space<vmem>>, %arg11: memref<64xf32, #tpu.memory_space<vmem>>, %arg12: memref<80xf32, #tpu.memory_space<vmem>>, %arg13: memref<80xf32, #tpu.memory_space<vmem>>, %arg14: memref<640xf32, #tpu.memory_space<vmem>>, %arg15: memref<512xf32, #tpu.memory_space<vmem>>, %arg16: memref<512xf32, #tpu.memory_space<vmem>>, %arg17: memref<64xf32, #tpu.memory_space<vmem>>, %arg18: memref<512xf32, #tpu.memory_space<vmem>>, %arg19: memref<1280xf32, #tpu.memory_space<vmem_shared>>, %arg20: memref<8192xf32, #tpu.memory_space<vmem_shared>>, %arg21: memref<1024xf32, #tpu.memory_space<vmem_shared>>, %arg22: memref<!tpu.dma_semaphore, #tpu.memory_space<semaphore_mem>>, %arg23: memref<!tpu.dma_semaphore, #tpu.memory_space<semaphore_mem>>) attributes {dimension_semantics = [#tpu.dimension_semantics<core_parallel>, #tpu.dimension_semantics<subcore_parallel>], iteration_bounds = array<i64: 2, 16>, scalar_prefetch = 0 : i64, scratch_operands = 17 : i64, tpu.core_type = #tpu.core_type<sc_vector_subcore>, window_params = [{transform_indices = #map}, {transform_indices = #map}, {transform_indices = #map1}, {transform_indices = #map2}, {transform_indices = #map1}]} {
    %mul3A = arith.constant 16 : i32
    %mul3A_0 = arith.muli %arg0, %mul3A : i32
    %add3A = arith.addi %mul3A_0, %arg1 : i32
    %jit3A = arith.constant 8 : i32
    %div3A = arith.divsi %add3A, %jit3A : i32
    %sign3A = arith.constant 0 : i32
    %sign3A_1 = arith.cmpi sgt, %add3A, %sign3A : i32
    %sign3A_2 = arith.extui %sign3A_1 : i1 to i32
    %sign3A_3 = arith.constant 0 : i32
    %sign3A_4 = arith.cmpi slt, %add3A, %sign3A_3 : i32
    %sign3A_5 = arith.extui %sign3A_4 : i1 to i32
    %sign3A_6 = arith.subi %sign3A_2, %sign3A_5 : i32
    %sign3A_7 = arith.constant 0 : i32
    %sign3A_8 = arith.cmpi sgt, %jit3A, %sign3A_7 : i32
    %sign3A_9 = arith.extui %sign3A_8 : i1 to i32
    %sign3A_10 = arith.constant 0 : i32
    %sign3A_11 = arith.cmpi slt, %jit3A, %sign3A_10 : i32
    %sign3A_12 = arith.extui %sign3A_11 : i1 to i32
    %sign3A_13 = arith.subi %sign3A_9, %sign3A_12 : i32
    %ne3A = arith.cmpi ne, %sign3A_6, %sign3A_13 : i32
    %rem3A = arith.remsi %add3A, %jit3A : i32
    %ne3A_14 = arith.constant 0 : i32
    %ne3A_15 = arith.cmpi ne, %rem3A, %ne3A_14 : i32
    %and3A = arith.andi %ne3A, %ne3A_15 : i1
    %sub3A = arith.constant 1 : i32
    %sub3A_16 = arith.subi %div3A, %sub3A : i32
    %select_n3A = arith.select %and3A, %sub3A_16, %div3A : i32
    %rem3A_17 = arith.constant 8 : i32
    %rem3A_18 = arith.remsi %add3A, %rem3A_17 : i32
    %mul3A_19 = arith.constant 36864 : i32
    %mul3A_20 = arith.muli %select_n3A, %mul3A_19 : i32
    %mul3A_21 = arith.constant 4608 : i32
    %mul3A_22 = arith.muli %rem3A_18, %mul3A_21 : i32
    %add3A_23 = arith.addi %mul3A_20, %mul3A_22 : i32
    %dma_start3A = tpu.memref_slice %arg2[%add3A_23] : memref<147456xf32, #tpu.memory_space<hbm>> -> memref<4608xf32, #tpu.memory_space<hbm>>
    %dma_start3A_24 = tpu.memref_slice %arg2[%add3A_23] : memref<147456xf32, #tpu.memory_space<hbm>> -> memref<4608xf32, #tpu.memory_space<hbm>>
    tpu.enqueue_dma source(%dma_start3A_24 : memref<4608xf32, #tpu.memory_space<hbm>>) target(%arg7 : memref<4608xf32, #tpu.memory_space<vmem>>) target_semaphore(%arg22 : memref<!tpu.dma_semaphore, #tpu.memory_space<semaphore_mem>>)
    %mul3A_25 = arith.constant 576 : i32
    %mul3A_26 = arith.muli %select_n3A, %mul3A_25 : i32
    %dma_start3A_27 = arith.constant 0 : i32
    %dma_start3A_28 = tpu.memref_slice %arg8[%dma_start3A_27] : memref<592xf32, #tpu.memory_space<vmem>> -> memref<576xf32, #tpu.memory_space<vmem>>
    %dma_start3A_29 = tpu.memref_slice %arg3[%mul3A_26] : memref<2304xf32, #tpu.memory_space<hbm>> -> memref<576xf32, #tpu.memory_space<hbm>>
    %dma_start3A_30 = arith.constant 0 : i32
    %dma_start3A_31 = tpu.memref_slice %arg8[%dma_start3A_30] : memref<592xf32, #tpu.memory_space<vmem>> -> memref<576xf32, #tpu.memory_space<vmem>>
    %dma_start3A_32 = tpu.memref_slice %arg3[%mul3A_26] : memref<2304xf32, #tpu.memory_space<hbm>> -> memref<576xf32, #tpu.memory_space<hbm>>
    tpu.enqueue_dma source(%dma_start3A_32 : memref<576xf32, #tpu.memory_space<hbm>>) target(%dma_start3A_31 : memref<576xf32, #tpu.memory_space<vmem>>) target_semaphore(%arg22 : memref<!tpu.dma_semaphore, #tpu.memory_space<semaphore_mem>>)
    %mul3A_33 = arith.constant 8 : i32
    %mul3A_34 = arith.muli %rem3A_18, %mul3A_33 : i32
    %dma_start3A_35 = arith.constant 0 : i32
    %dma_start3A_36 = tpu.memref_slice %arg4[%mul3A_34, %dma_start3A_35] : memref<64x512xf32, #tpu.memory_space<hbm>> -> memref<8x512xf32, #tpu.memory_space<hbm>>
    %dma_start3A_37 = arith.constant 0 : i32
    %dma_start3A_38 = tpu.memref_slice %arg4[%mul3A_34, %dma_start3A_37] : memref<64x512xf32, #tpu.memory_space<hbm>> -> memref<8x512xf32, #tpu.memory_space<hbm>>
    tpu.enqueue_dma source(%dma_start3A_38 : memref<8x512xf32, #tpu.memory_space<hbm>>) target(%arg9 : memref<8x512xf32, #tpu.memory_space<vmem>>) target_semaphore(%arg23 : memref<!tpu.dma_semaphore, #tpu.memory_space<semaphore_mem>>)
    %dma_wait3A = tpu.memref_slice %arg2[%add3A_23] : memref<147456xf32, #tpu.memory_space<hbm>> -> memref<4608xf32, #tpu.memory_space<hbm>>
    %dma_wait3A_39 = tpu.memref_slice %arg2[%add3A_23] : memref<147456xf32, #tpu.memory_space<hbm>> -> memref<4608xf32, #tpu.memory_space<hbm>>
    tpu.wait_dma2 semaphore(%arg22 : memref<!tpu.dma_semaphore, #tpu.memory_space<semaphore_mem>>) src(%dma_wait3A_39 : memref<4608xf32, #tpu.memory_space<hbm>>) dst(%arg7 : memref<4608xf32, #tpu.memory_space<vmem>>)
    %dma_wait3A_40 = arith.constant 0 : i32
    %dma_wait3A_41 = tpu.memref_slice %arg8[%dma_wait3A_40] : memref<592xf32, #tpu.memory_space<vmem>> -> memref<576xf32, #tpu.memory_space<vmem>>
    %dma_wait3A_42 = tpu.memref_slice %arg3[%mul3A_26] : memref<2304xf32, #tpu.memory_space<hbm>> -> memref<576xf32, #tpu.memory_space<hbm>>
    %dma_wait3A_43 = arith.constant 0 : i32
    %dma_wait3A_44 = tpu.memref_slice %arg8[%dma_wait3A_43] : memref<592xf32, #tpu.memory_space<vmem>> -> memref<576xf32, #tpu.memory_space<vmem>>
    %dma_wait3A_45 = tpu.memref_slice %arg3[%mul3A_26] : memref<2304xf32, #tpu.memory_space<hbm>> -> memref<576xf32, #tpu.memory_space<hbm>>
    tpu.wait_dma2 semaphore(%arg22 : memref<!tpu.dma_semaphore, #tpu.memory_space<semaphore_mem>>) src(%dma_wait3A_45 : memref<576xf32, #tpu.memory_space<hbm>>) dst(%dma_wait3A_44 : memref<576xf32, #tpu.memory_space<vmem>>)
    %broadcast_in_dim3A = arith.constant 0.000000e+00 : f32
    %broadcast_in_dim3A_46 = vector.broadcast %broadcast_in_dim3A : f32 to vector<16xf32>
    %broadcast_in_dim3A_47 = arith.constant 0 : i32
    %broadcast_in_dim3A_48 = vector.broadcast %broadcast_in_dim3A_47 : i32 to vector<16xi32>
    %mul3A_49 = arith.constant 72 : i32
    %mul3A_50 = arith.muli %rem3A_18, %mul3A_49 : i32
    %scan3A = arith.constant 0 : i32
    %scan3A_51 = arith.constant 72 : i32
    %scan3A_52 = arith.addi %scan3A, %scan3A_51 : i32
    %scan3A_53 = arith.constant 1 : i32
    %scan3A_54:4 = scf.for %scan3A_964 = %scan3A to %scan3A_52 step %scan3A_53 iter_args(%scan3A_965 = %broadcast_in_dim3A_46, %scan3A_966 = %broadcast_in_dim3A_46, %scan3A_967 = %broadcast_in_dim3A_46, %scan3A_968 = %broadcast_in_dim3A_46) -> (vector<16xf32>, vector<16xf32>, vector<16xf32>, vector<16xf32>)  : i32 {
      %add3A_969 = arith.addi %mul3A_50, %scan3A_964 : i32
      %get3A_970 = arith.index_cast %add3A_969 : i32 to index
      %get3A_971 = tpu.vector_load %arg8[%get3A_970] {strides = array<i32>} : memref<592xf32, #tpu.memory_space<vmem>>, vector<16xf32>,
      %get3A_972 = vector.shape_cast %get3A_971 : vector<16xf32> to vector<16xf32>
      %lt3A_973 = arith.constant 0 : i32
      %lt3A_974 = vector.broadcast %lt3A_973 : i32 to vector<16xi32>
      %lt3A_975 = arith.cmpi slt, %broadcast_in_dim3A_48, %lt3A_974 : vector<16xi32>
      %add3A_976 = arith.constant 16 : i32
      %add3A_977 = vector.broadcast %add3A_976 : i32 to vector<16xi32>
      %add3A_978 = arith.addi %broadcast_in_dim3A_48, %add3A_977 : vector<16xi32>
      %select_n3A_979 = arith.select %lt3A_975, %add3A_978, %broadcast_in_dim3A_48 : vector<16xi1>, vector<16xi32>
      %broadcast_in_dim3A_980 = vector.shape_cast %select_n3A_979 : vector<16xi32> to vector<16x1xi32>
      %gather3A_981 = vector.shape_cast %broadcast_in_dim3A_980 : vector<16x1xi32> to vector<16xi32>
      %gather3A_982 = tpu.dynamic_gather %get3A_972[%gather3A_981] in [0] : vector<16xf32>, vector<16xi32> -> vector<16xf32>
      %mul3A_983 = arith.constant 64 : i32
      %mul3A_984 = arith.muli %scan3A_964, %mul3A_983 : i32
      %get3A_985 = arith.index_cast %mul3A_984 : i32 to index
      %get3A_986 = tpu.vector_load %arg7[%get3A_985] {strides = array<i32>} : memref<4608xf32, #tpu.memory_space<vmem>>, vector<16xf32>,
      %get3A_987 = vector.shape_cast %get3A_986 : vector<16xf32> to vector<16xf32>
      %mul3A_988 = arith.mulf %gather3A_982, %get3A_987 : vector<16xf32>
      %add3A_989 = arith.addf %scan3A_965, %mul3A_988 : vector<16xf32>
      %add3A_990 = arith.constant 16 : i32
      %add3A_991 = arith.addi %mul3A_984, %add3A_990 : i32
      %get3A_992 = arith.index_cast %add3A_991 : i32 to index
      %get3A_993 = tpu.vector_load %arg7[%get3A_992] {strides = array<i32>} : memref<4608xf32, #tpu.memory_space<vmem>>, vector<16xf32>,
      %get3A_994 = vector.shape_cast %get3A_993 : vector<16xf32> to vector<16xf32>
      %mul3A_995 = arith.mulf %gather3A_982, %get3A_994 : vector<16xf32>
      %add3A_996 = arith.addf %scan3A_966, %mul3A_995 : vector<16xf32>
      %add3A_997 = arith.constant 32 : i32
      %add3A_998 = arith.addi %mul3A_984, %add3A_997 : i32
      %get3A_999 = arith.index_cast %add3A_998 : i32 to index
      %get3A_1000 = tpu.vector_load %arg7[%get3A_999] {strides = array<i32>} : memref<4608xf32, #tpu.memory_space<vmem>>, vector<16xf32>,
      %get3A_1001 = vector.shape_cast %get3A_1000 : vector<16xf32> to vector<16xf32>
      %mul3A_1002 = arith.mulf %gather3A_982, %get3A_1001 : vector<16xf32>
      %add3A_1003 = arith.addf %scan3A_967, %mul3A_1002 : vector<16xf32>
      %add3A_1004 = arith.constant 48 : i32
      %add3A_1005 = arith.addi %mul3A_984, %add3A_1004 : i32
      %get3A_1006 = arith.index_cast %add3A_1005 : i32 to index
      %get3A_1007 = tpu.vector_load %arg7[%get3A_1006] {strides = array<i32>} : memref<4608xf32, #tpu.memory_space<vmem>>, vector<16xf32>,
      %get3A_1008 = vector.shape_cast %get3A_1007 : vector<16xf32> to vector<16xf32>
      %mul3A_1009 = arith.mulf %gather3A_982, %get3A_1008 : vector<16xf32>
      %add3A_1010 = arith.addf %scan3A_968, %mul3A_1009 : vector<16xf32>
      scf.yield %add3A_989, %add3A_996, %add3A_1003, %add3A_1010 : vector<16xf32>, vector<16xf32>, vector<16xf32>, vector<16xf32>
    }
    %scan3A_55 = arith.constant 72 : i32
    %add3A_56 = arith.constant 0 : i32
    %add3A_57 = arith.addi %mul3A_50, %add3A_56 : i32
    %get3A = arith.index_cast %add3A_57 : i32 to index
    %get3A_58 = tpu.vector_load %arg8[%get3A] {strides = array<i32>} : memref<592xf32, #tpu.memory_space<vmem>>, vector<16xf32>,
    %get3A_59 = vector.shape_cast %get3A_58 : vector<16xf32> to vector<16xf32>
    %add3A_60 = arith.addf %broadcast_in_dim3A_46, %get3A_59 : vector<16xf32>
    %add3A_61 = arith.constant 16 : i32
    %add3A_62 = arith.addi %mul3A_50, %add3A_61 : i32
    %get3A_63 = arith.index_cast %add3A_62 : i32 to index
    %get3A_64 = tpu.vector_load %arg8[%get3A_63] {strides = array<i32>} : memref<592xf32, #tpu.memory_space<vmem>>, vector<16xf32>,
    %get3A_65 = vector.shape_cast %get3A_64 : vector<16xf32> to vector<16xf32>
    %add3A_66 = arith.addf %add3A_60, %get3A_65 : vector<16xf32>
    %add3A_67 = arith.constant 32 : i32
    %add3A_68 = arith.addi %mul3A_50, %add3A_67 : i32
    %get3A_69 = arith.index_cast %add3A_68 : i32 to index
    %get3A_70 = tpu.vector_load %arg8[%get3A_69] {strides = array<i32>} : memref<592xf32, #tpu.memory_space<vmem>>, vector<16xf32>,
    %get3A_71 = vector.shape_cast %get3A_70 : vector<16xf32> to vector<16xf32>
    %add3A_72 = arith.addf %add3A_66, %get3A_71 : vector<16xf32>
    %add3A_73 = arith.constant 48 : i32
    %add3A_74 = arith.addi %mul3A_50, %add3A_73 : i32
    %get3A_75 = arith.index_cast %add3A_74 : i32 to index
    %get3A_76 = tpu.vector_load %arg8[%get3A_75] {strides = array<i32>} : memref<592xf32, #tpu.memory_space<vmem>>, vector<16xf32>,
    %get3A_77 = vector.shape_cast %get3A_76 : vector<16xf32> to vector<16xf32>
    %add3A_78 = arith.addf %add3A_72, %get3A_77 : vector<16xf32>
    %add3A_79 = arith.constant 64 : i32
    %add3A_80 = arith.addi %mul3A_50, %add3A_79 : i32
    %get3A_81 = arith.index_cast %add3A_80 : i32 to index
    %get3A_82 = tpu.vector_load %arg8[%get3A_81] {strides = array<i32>} : memref<592xf32, #tpu.memory_space<vmem>>, vector<16xf32>,
    %get3A_83 = vector.shape_cast %get3A_82 : vector<16xf32> to vector<16xf32>
    %iota3A = tpu.iota {dimensions = array<i32: 0>} : vector<16xi32>
    %lt3A = arith.constant 8 : i32
    %lt3A_84 = vector.broadcast %lt3A : i32 to vector<16xi32>
    %lt3A_85 = arith.cmpi slt, %iota3A, %lt3A_84 : vector<16xi32>
    %jit3A_86 = arith.constant 0.000000e+00 : f32
    %broadcast_in_dim3A_87 = vector.broadcast %jit3A_86 : f32 to vector<16xf32>
    %select_n3A_88 = arith.select %lt3A_85, %get3A_83, %broadcast_in_dim3A_87 : vector<16xi1>, vector<16xf32>
    %add3A_89 = arith.addf %add3A_78, %select_n3A_88 : vector<16xf32>
    %swap3A = arith.constant 0 : index
    %swap3A_90 = tpu.vector_load %arg13[%swap3A] {strides = array<i32>} : memref<80xf32, #tpu.memory_space<vmem>>, vector<16xf32>,
    %swap3A_91 = vector.shape_cast %swap3A_90 : vector<16xf32> to vector<16xf32>
    %swap3A_92 = vector.shape_cast %scan3A_54#0 : vector<16xf32> to vector<16xf32>
    tpu.vector_store %arg13[%swap3A], %swap3A_92 {strides = array<i32>} : memref<80xf32, #tpu.memory_space<vmem>>, vector<16xf32>,
    %swap3A_93 = arith.constant 16 : index
    %swap3A_94 = tpu.vector_load %arg13[%swap3A_93] {strides = array<i32>} : memref<80xf32, #tpu.memory_space<vmem>>, vector<16xf32>,
    %swap3A_95 = vector.shape_cast %swap3A_94 : vector<16xf32> to vector<16xf32>
    %swap3A_96 = vector.shape_cast %scan3A_54#1 : vector<16xf32> to vector<16xf32>
    tpu.vector_store %arg13[%swap3A_93], %swap3A_96 {strides = array<i32>} : memref<80xf32, #tpu.memory_space<vmem>>, vector<16xf32>,
    %swap3A_97 = arith.constant 32 : index
    %swap3A_98 = tpu.vector_load %arg13[%swap3A_97] {strides = array<i32>} : memref<80xf32, #tpu.memory_space<vmem>>, vector<16xf32>,
    %swap3A_99 = vector.shape_cast %swap3A_98 : vector<16xf32> to vector<16xf32>
    %swap3A_100 = vector.shape_cast %scan3A_54#2 : vector<16xf32> to vector<16xf32>
    tpu.vector_store %arg13[%swap3A_97], %swap3A_100 {strides = array<i32>} : memref<80xf32, #tpu.memory_space<vmem>>, vector<16xf32>,
    %swap3A_101 = arith.constant 48 : index
    %swap3A_102 = tpu.vector_load %arg13[%swap3A_101] {strides = array<i32>} : memref<80xf32, #tpu.memory_space<vmem>>, vector<16xf32>,
    %swap3A_103 = vector.shape_cast %swap3A_102 : vector<16xf32> to vector<16xf32>
    %swap3A_104 = vector.shape_cast %scan3A_54#3 : vector<16xf32> to vector<16xf32>
    tpu.vector_store %arg13[%swap3A_101], %swap3A_104 {strides = array<i32>} : memref<80xf32, #tpu.memory_space<vmem>>, vector<16xf32>,
    %swap3A_105 = arith.constant 64 : index
    %swap3A_106 = tpu.vector_load %arg13[%swap3A_105] {strides = array<i32>} : memref<80xf32, #tpu.memory_space<vmem>>, vector<16xf32>,
    %swap3A_107 = vector.shape_cast %swap3A_106 : vector<16xf32> to vector<16xf32>
    %swap3A_108 = vector.shape_cast %add3A_89 : vector<16xf32> to vector<16xf32>
    tpu.vector_store %arg13[%swap3A_105], %swap3A_108 {strides = array<i32>} : memref<80xf32, #tpu.memory_space<vmem>>, vector<16xf32>,
    %mul3A_109 = arith.constant 80 : i32
    %mul3A_110 = arith.muli %arg1, %mul3A_109 : i32
    "tpu.region"() ({
      %run_scoped3A = tpu.sem_alloc : memref<!tpu.dma_semaphore, #tpu.memory_space<semaphore_mem>>
      %dma_start3A_964 = tpu.memref_slice %arg19[%mul3A_110] : memref<1280xf32, #tpu.memory_space<vmem_shared>> -> memref<80xf32, #tpu.memory_space<vmem_shared>>
      %dma_start3A_965 = tpu.memref_slice %arg19[%mul3A_110] : memref<1280xf32, #tpu.memory_space<vmem_shared>> -> memref<80xf32, #tpu.memory_space<vmem_shared>>
      tpu.enqueue_dma source(%arg13 : memref<80xf32, #tpu.memory_space<vmem>>) target(%dma_start3A_965 : memref<80xf32, #tpu.memory_space<vmem_shared>>) target_semaphore(%run_scoped3A : memref<!tpu.dma_semaphore, #tpu.memory_space<semaphore_mem>>)
      %dma_wait3A_966 = tpu.memref_slice %arg19[%mul3A_110] : memref<1280xf32, #tpu.memory_space<vmem_shared>> -> memref<80xf32, #tpu.memory_space<vmem_shared>>
      %dma_wait3A_967 = tpu.memref_slice %arg19[%mul3A_110] : memref<1280xf32, #tpu.memory_space<vmem_shared>> -> memref<80xf32, #tpu.memory_space<vmem_shared>>
      tpu.wait_dma2 semaphore(%run_scoped3A : memref<!tpu.dma_semaphore, #tpu.memory_space<semaphore_mem>>) src(%arg13 : memref<80xf32, #tpu.memory_space<vmem>>) dst(%dma_wait3A_967 : memref<80xf32, #tpu.memory_space<vmem_shared>>)
      tpu.yield
    }) : () -> ()
    %barrier3A = arith.constant 0 : index
    tpu.barrier barrier_id(%barrier3A)
    %jit3A_111 = arith.constant 8 : i32
    %div3A_112 = arith.divsi %arg1, %jit3A_111 : i32
    %sign3A_113 = arith.constant 0 : i32
    %sign3A_114 = arith.cmpi sgt, %arg1, %sign3A_113 : i32
    %sign3A_115 = arith.extui %sign3A_114 : i1 to i32
    %sign3A_116 = arith.constant 0 : i32
    %sign3A_117 = arith.cmpi slt, %arg1, %sign3A_116 : i32
    %sign3A_118 = arith.extui %sign3A_117 : i1 to i32
    %sign3A_119 = arith.subi %sign3A_115, %sign3A_118 : i32
    %sign3A_120 = arith.constant 0 : i32
    %sign3A_121 = arith.cmpi sgt, %jit3A_111, %sign3A_120 : i32
    %sign3A_122 = arith.extui %sign3A_121 : i1 to i32
    %sign3A_123 = arith.constant 0 : i32
    %sign3A_124 = arith.cmpi slt, %jit3A_111, %sign3A_123 : i32
    %sign3A_125 = arith.extui %sign3A_124 : i1 to i32
    %sign3A_126 = arith.subi %sign3A_122, %sign3A_125 : i32
    %ne3A_127 = arith.cmpi ne, %sign3A_119, %sign3A_126 : i32
    %rem3A_128 = arith.remsi %arg1, %jit3A_111 : i32
    %ne3A_129 = arith.constant 0 : i32
    %ne3A_130 = arith.cmpi ne, %rem3A_128, %ne3A_129 : i32
    %and3A_131 = arith.andi %ne3A_127, %ne3A_130 : i1
    %sub3A_132 = arith.constant 1 : i32
    %sub3A_133 = arith.subi %div3A_112, %sub3A_132 : i32
    %select_n3A_134 = arith.select %and3A_131, %sub3A_133, %div3A_112 : i32
    %mul3A_135 = arith.constant 8 : i32
    %mul3A_136 = arith.muli %select_n3A_134, %mul3A_135 : i32
    %mul3A_137 = arith.constant 80 : i32
    %mul3A_138 = arith.muli %mul3A_136, %mul3A_137 : i32
    "tpu.region"() ({
      %run_scoped3A = tpu.sem_alloc : memref<!tpu.dma_semaphore, #tpu.memory_space<semaphore_mem>>
      %dma_start3A_964 = tpu.memref_slice %arg19[%mul3A_138] : memref<1280xf32, #tpu.memory_space<vmem_shared>> -> memref<640xf32, #tpu.memory_space<vmem_shared>>
      %dma_start3A_965 = tpu.memref_slice %arg19[%mul3A_138] : memref<1280xf32, #tpu.memory_space<vmem_shared>> -> memref<640xf32, #tpu.memory_space<vmem_shared>>
      tpu.enqueue_dma source(%dma_start3A_965 : memref<640xf32, #tpu.memory_space<vmem_shared>>) target(%arg14 : memref<640xf32, #tpu.memory_space<vmem>>) target_semaphore(%run_scoped3A : memref<!tpu.dma_semaphore, #tpu.memory_space<semaphore_mem>>)
      %dma_wait3A_966 = tpu.memref_slice %arg19[%mul3A_138] : memref<1280xf32, #tpu.memory_space<vmem_shared>> -> memref<640xf32, #tpu.memory_space<vmem_shared>>
      %dma_wait3A_967 = tpu.memref_slice %arg19[%mul3A_138] : memref<1280xf32, #tpu.memory_space<vmem_shared>> -> memref<640xf32, #tpu.memory_space<vmem_shared>>
      tpu.wait_dma2 semaphore(%run_scoped3A : memref<!tpu.dma_semaphore, #tpu.memory_space<semaphore_mem>>) src(%dma_wait3A_967 : memref<640xf32, #tpu.memory_space<vmem_shared>>) dst(%arg14 : memref<640xf32, #tpu.memory_space<vmem>>)
      tpu.yield
    }) : () -> ()
    %get3A_139 = arith.constant 0 : index
    %get3A_140 = tpu.vector_load %arg14[%get3A_139] {strides = array<i32>} : memref<640xf32, #tpu.memory_space<vmem>>, vector<16xf32>,
    %get3A_141 = vector.shape_cast %get3A_140 : vector<16xf32> to vector<16xf32>
    %get3A_142 = arith.constant 80 : index
    %get3A_143 = tpu.vector_load %arg14[%get3A_142] {strides = array<i32>} : memref<640xf32, #tpu.memory_space<vmem>>, vector<16xf32>,
    %get3A_144 = vector.shape_cast %get3A_143 : vector<16xf32> to vector<16xf32>
    %add3A_145 = arith.addf %get3A_141, %get3A_144 : vector<16xf32>
    %get3A_146 = arith.constant 160 : index
    %get3A_147 = tpu.vector_load %arg14[%get3A_146] {strides = array<i32>} : memref<640xf32, #tpu.memory_space<vmem>>, vector<16xf32>,
    %get3A_148 = vector.shape_cast %get3A_147 : vector<16xf32> to vector<16xf32>
    %add3A_149 = arith.addf %add3A_145, %get3A_148 : vector<16xf32>
    %get3A_150 = arith.constant 240 : index
    %get3A_151 = tpu.vector_load %arg14[%get3A_150] {strides = array<i32>} : memref<640xf32, #tpu.memory_space<vmem>>, vector<16xf32>,
    %get3A_152 = vector.shape_cast %get3A_151 : vector<16xf32> to vector<16xf32>
    %add3A_153 = arith.addf %add3A_149, %get3A_152 : vector<16xf32>
    %get3A_154 = arith.constant 320 : index
    %get3A_155 = tpu.vector_load %arg14[%get3A_154] {strides = array<i32>} : memref<640xf32, #tpu.memory_space<vmem>>, vector<16xf32>,
    %get3A_156 = vector.shape_cast %get3A_155 : vector<16xf32> to vector<16xf32>
    %add3A_157 = arith.addf %add3A_153, %get3A_156 : vector<16xf32>
    %get3A_158 = arith.constant 400 : index
    %get3A_159 = tpu.vector_load %arg14[%get3A_158] {strides = array<i32>} : memref<640xf32, #tpu.memory_space<vmem>>, vector<16xf32>,
    %get3A_160 = vector.shape_cast %get3A_159 : vector<16xf32> to vector<16xf32>
    %add3A_161 = arith.addf %add3A_157, %get3A_160 : vector<16xf32>
    %get3A_162 = arith.constant 480 : index
    %get3A_163 = tpu.vector_load %arg14[%get3A_162] {strides = array<i32>} : memref<640xf32, #tpu.memory_space<vmem>>, vector<16xf32>,
    %get3A_164 = vector.shape_cast %get3A_163 : vector<16xf32> to vector<16xf32>
    %add3A_165 = arith.addf %add3A_161, %get3A_164 : vector<16xf32>
    %get3A_166 = arith.constant 560 : index
    %get3A_167 = tpu.vector_load %arg14[%get3A_166] {strides = array<i32>} : memref<640xf32, #tpu.memory_space<vmem>>, vector<16xf32>,
    %get3A_168 = vector.shape_cast %get3A_167 : vector<16xf32> to vector<16xf32>
    %add3A_169 = arith.addf %add3A_165, %get3A_168 : vector<16xf32>
    %swap3A_170 = arith.constant 0 : index
    %swap3A_171 = tpu.vector_load %arg12[%swap3A_170] {strides = array<i32>} : memref<80xf32, #tpu.memory_space<vmem>>, vector<16xf32>,
    %swap3A_172 = vector.shape_cast %swap3A_171 : vector<16xf32> to vector<16xf32>
    %swap3A_173 = vector.shape_cast %add3A_169 : vector<16xf32> to vector<16xf32>
    tpu.vector_store %arg12[%swap3A_170], %swap3A_173 {strides = array<i32>} : memref<80xf32, #tpu.memory_space<vmem>>, vector<16xf32>,
    %get3A_174 = arith.constant 16 : index
    %get3A_175 = tpu.vector_load %arg14[%get3A_174] {strides = array<i32>} : memref<640xf32, #tpu.memory_space<vmem>>, vector<16xf32>,
    %get3A_176 = vector.shape_cast %get3A_175 : vector<16xf32> to vector<16xf32>
    %get3A_177 = arith.constant 96 : index
    %get3A_178 = tpu.vector_load %arg14[%get3A_177] {strides = array<i32>} : memref<640xf32, #tpu.memory_space<vmem>>, vector<16xf32>,
    %get3A_179 = vector.shape_cast %get3A_178 : vector<16xf32> to vector<16xf32>
    %add3A_180 = arith.addf %get3A_176, %get3A_179 : vector<16xf32>
    %get3A_181 = arith.constant 176 : index
    %get3A_182 = tpu.vector_load %arg14[%get3A_181] {strides = array<i32>} : memref<640xf32, #tpu.memory_space<vmem>>, vector<16xf32>,
    %get3A_183 = vector.shape_cast %get3A_182 : vector<16xf32> to vector<16xf32>
    %add3A_184 = arith.addf %add3A_180, %get3A_183 : vector<16xf32>
    %get3A_185 = arith.constant 256 : index
    %get3A_186 = tpu.vector_load %arg14[%get3A_185] {strides = array<i32>} : memref<640xf32, #tpu.memory_space<vmem>>, vector<16xf32>,
    %get3A_187 = vector.shape_cast %get3A_186 : vector<16xf32> to vector<16xf32>
    %add3A_188 = arith.addf %add3A_184, %get3A_187 : vector<16xf32>
    %get3A_189 = arith.constant 336 : index
    %get3A_190 = tpu.vector_load %arg14[%get3A_189] {strides = array<i32>} : memref<640xf32, #tpu.memory_space<vmem>>, vector<16xf32>,
    %get3A_191 = vector.shape_cast %get3A_190 : vector<16xf32> to vector<16xf32>
    %add3A_192 = arith.addf %add3A_188, %get3A_191 : vector<16xf32>
    %get3A_193 = arith.constant 416 : index
    %get3A_194 = tpu.vector_load %arg14[%get3A_193] {strides = array<i32>} : memref<640xf32, #tpu.memory_space<vmem>>, vector<16xf32>,
    %get3A_195 = vector.shape_cast %get3A_194 : vector<16xf32> to vector<16xf32>
    %add3A_196 = arith.addf %add3A_192, %get3A_195 : vector<16xf32>
    %get3A_197 = arith.constant 496 : index
    %get3A_198 = tpu.vector_load %arg14[%get3A_197] {strides = array<i32>} : memref<640xf32, #tpu.memory_space<vmem>>, vector<16xf32>,
    %get3A_199 = vector.shape_cast %get3A_198 : vector<16xf32> to vector<16xf32>
    %add3A_200 = arith.addf %add3A_196, %get3A_199 : vector<16xf32>
    %get3A_201 = arith.constant 576 : index
    %get3A_202 = tpu.vector_load %arg14[%get3A_201] {strides = array<i32>} : memref<640xf32, #tpu.memory_space<vmem>>, vector<16xf32>,
    %get3A_203 = vector.shape_cast %get3A_202 : vector<16xf32> to vector<16xf32>
    %add3A_204 = arith.addf %add3A_200, %get3A_203 : vector<16xf32>
    %swap3A_205 = arith.constant 16 : index
    %swap3A_206 = tpu.vector_load %arg12[%swap3A_205] {strides = array<i32>} : memref<80xf32, #tpu.memory_space<vmem>>, vector<16xf32>,
    %swap3A_207 = vector.shape_cast %swap3A_206 : vector<16xf32> to vector<16xf32>
    %swap3A_208 = vector.shape_cast %add3A_204 : vector<16xf32> to vector<16xf32>
    tpu.vector_store %arg12[%swap3A_205], %swap3A_208 {strides = array<i32>} : memref<80xf32, #tpu.memory_space<vmem>>, vector<16xf32>,
    %get3A_209 = arith.constant 32 : index
    %get3A_210 = tpu.vector_load %arg14[%get3A_209] {strides = array<i32>} : memref<640xf32, #tpu.memory_space<vmem>>, vector<16xf32>,
    %get3A_211 = vector.shape_cast %get3A_210 : vector<16xf32> to vector<16xf32>
    %get3A_212 = arith.constant 112 : index
    %get3A_213 = tpu.vector_load %arg14[%get3A_212] {strides = array<i32>} : memref<640xf32, #tpu.memory_space<vmem>>, vector<16xf32>,
    %get3A_214 = vector.shape_cast %get3A_213 : vector<16xf32> to vector<16xf32>
    %add3A_215 = arith.addf %get3A_211, %get3A_214 : vector<16xf32>
    %get3A_216 = arith.constant 192 : index
    %get3A_217 = tpu.vector_load %arg14[%get3A_216] {strides = array<i32>} : memref<640xf32, #tpu.memory_space<vmem>>, vector<16xf32>,
    %get3A_218 = vector.shape_cast %get3A_217 : vector<16xf32> to vector<16xf32>
    %add3A_219 = arith.addf %add3A_215, %get3A_218 : vector<16xf32>
    %get3A_220 = arith.constant 272 : index
    %get3A_221 = tpu.vector_load %arg14[%get3A_220] {strides = array<i32>} : memref<640xf32, #tpu.memory_space<vmem>>, vector<16xf32>,
    %get3A_222 = vector.shape_cast %get3A_221 : vector<16xf32> to vector<16xf32>
    %add3A_223 = arith.addf %add3A_219, %get3A_222 : vector<16xf32>
    %get3A_224 = arith.constant 352 : index
    %get3A_225 = tpu.vector_load %arg14[%get3A_224] {strides = array<i32>} : memref<640xf32, #tpu.memory_space<vmem>>, vector<16xf32>,
    %get3A_226 = vector.shape_cast %get3A_225 : vector<16xf32> to vector<16xf32>
    %add3A_227 = arith.addf %add3A_223, %get3A_226 : vector<16xf32>
    %get3A_228 = arith.constant 432 : index
    %get3A_229 = tpu.vector_load %arg14[%get3A_228] {strides = array<i32>} : memref<640xf32, #tpu.memory_space<vmem>>, vector<16xf32>,
    %get3A_230 = vector.shape_cast %get3A_229 : vector<16xf32> to vector<16xf32>
    %add3A_231 = arith.addf %add3A_227, %get3A_230 : vector<16xf32>
    %get3A_232 = arith.constant 512 : index
    %get3A_233 = tpu.vector_load %arg14[%get3A_232] {strides = array<i32>} : memref<640xf32, #tpu.memory_space<vmem>>, vector<16xf32>,
    %get3A_234 = vector.shape_cast %get3A_233 : vector<16xf32> to vector<16xf32>
    %add3A_235 = arith.addf %add3A_231, %get3A_234 : vector<16xf32>
    %get3A_236 = arith.constant 592 : index
    %get3A_237 = tpu.vector_load %arg14[%get3A_236] {strides = array<i32>} : memref<640xf32, #tpu.memory_space<vmem>>, vector<16xf32>,
    %get3A_238 = vector.shape_cast %get3A_237 : vector<16xf32> to vector<16xf32>
    %add3A_239 = arith.addf %add3A_235, %get3A_238 : vector<16xf32>
    %swap3A_240 = arith.constant 32 : index
    %swap3A_241 = tpu.vector_load %arg12[%swap3A_240] {strides = array<i32>} : memref<80xf32, #tpu.memory_space<vmem>>, vector<16xf32>,
    %swap3A_242 = vector.shape_cast %swap3A_241 : vector<16xf32> to vector<16xf32>
    %swap3A_243 = vector.shape_cast %add3A_239 : vector<16xf32> to vector<16xf32>
    tpu.vector_store %arg12[%swap3A_240], %swap3A_243 {strides = array<i32>} : memref<80xf32, #tpu.memory_space<vmem>>, vector<16xf32>,
    %get3A_244 = arith.constant 48 : index
    %get3A_245 = tpu.vector_load %arg14[%get3A_244] {strides = array<i32>} : memref<640xf32, #tpu.memory_space<vmem>>, vector<16xf32>,
    %get3A_246 = vector.shape_cast %get3A_245 : vector<16xf32> to vector<16xf32>
    %get3A_247 = arith.constant 128 : index
    %get3A_248 = tpu.vector_load %arg14[%get3A_247] {strides = array<i32>} : memref<640xf32, #tpu.memory_space<vmem>>, vector<16xf32>,
    %get3A_249 = vector.shape_cast %get3A_248 : vector<16xf32> to vector<16xf32>
    %add3A_250 = arith.addf %get3A_246, %get3A_249 : vector<16xf32>
    %get3A_251 = arith.constant 208 : index
    %get3A_252 = tpu.vector_load %arg14[%get3A_251] {strides = array<i32>} : memref<640xf32, #tpu.memory_space<vmem>>, vector<16xf32>,
    %get3A_253 = vector.shape_cast %get3A_252 : vector<16xf32> to vector<16xf32>
    %add3A_254 = arith.addf %add3A_250, %get3A_253 : vector<16xf32>
    %get3A_255 = arith.constant 288 : index
    %get3A_256 = tpu.vector_load %arg14[%get3A_255] {strides = array<i32>} : memref<640xf32, #tpu.memory_space<vmem>>, vector<16xf32>,
    %get3A_257 = vector.shape_cast %get3A_256 : vector<16xf32> to vector<16xf32>
    %add3A_258 = arith.addf %add3A_254, %get3A_257 : vector<16xf32>
    %get3A_259 = arith.constant 368 : index
    %get3A_260 = tpu.vector_load %arg14[%get3A_259] {strides = array<i32>} : memref<640xf32, #tpu.memory_space<vmem>>, vector<16xf32>,
    %get3A_261 = vector.shape_cast %get3A_260 : vector<16xf32> to vector<16xf32>
    %add3A_262 = arith.addf %add3A_258, %get3A_261 : vector<16xf32>
    %get3A_263 = arith.constant 448 : index
    %get3A_264 = tpu.vector_load %arg14[%get3A_263] {strides = array<i32>} : memref<640xf32, #tpu.memory_space<vmem>>, vector<16xf32>,
    %get3A_265 = vector.shape_cast %get3A_264 : vector<16xf32> to vector<16xf32>
    %add3A_266 = arith.addf %add3A_262, %get3A_265 : vector<16xf32>
    %get3A_267 = arith.constant 528 : index
    %get3A_268 = tpu.vector_load %arg14[%get3A_267] {strides = array<i32>} : memref<640xf32, #tpu.memory_space<vmem>>, vector<16xf32>,
    %get3A_269 = vector.shape_cast %get3A_268 : vector<16xf32> to vector<16xf32>
    %add3A_270 = arith.addf %add3A_266, %get3A_269 : vector<16xf32>
    %get3A_271 = arith.constant 608 : index
    %get3A_272 = tpu.vector_load %arg14[%get3A_271] {strides = array<i32>} : memref<640xf32, #tpu.memory_space<vmem>>, vector<16xf32>,
    %get3A_273 = vector.shape_cast %get3A_272 : vector<16xf32> to vector<16xf32>
    %add3A_274 = arith.addf %add3A_270, %get3A_273 : vector<16xf32>
    %swap3A_275 = arith.constant 48 : index
    %swap3A_276 = tpu.vector_load %arg12[%swap3A_275] {strides = array<i32>} : memref<80xf32, #tpu.memory_space<vmem>>, vector<16xf32>,
    %swap3A_277 = vector.shape_cast %swap3A_276 : vector<16xf32> to vector<16xf32>
    %swap3A_278 = vector.shape_cast %add3A_274 : vector<16xf32> to vector<16xf32>
    tpu.vector_store %arg12[%swap3A_275], %swap3A_278 {strides = array<i32>} : memref<80xf32, #tpu.memory_space<vmem>>, vector<16xf32>,
    %get3A_279 = arith.constant 64 : index
    %get3A_280 = tpu.vector_load %arg14[%get3A_279] {strides = array<i32>} : memref<640xf32, #tpu.memory_space<vmem>>, vector<16xf32>,
    %get3A_281 = vector.shape_cast %get3A_280 : vector<16xf32> to vector<16xf32>
    %get3A_282 = arith.constant 144 : index
    %get3A_283 = tpu.vector_load %arg14[%get3A_282] {strides = array<i32>} : memref<640xf32, #tpu.memory_space<vmem>>, vector<16xf32>,
    %get3A_284 = vector.shape_cast %get3A_283 : vector<16xf32> to vector<16xf32>
    %add3A_285 = arith.addf %get3A_281, %get3A_284 : vector<16xf32>
    %get3A_286 = arith.constant 224 : index
    %get3A_287 = tpu.vector_load %arg14[%get3A_286] {strides = array<i32>} : memref<640xf32, #tpu.memory_space<vmem>>, vector<16xf32>,
    %get3A_288 = vector.shape_cast %get3A_287 : vector<16xf32> to vector<16xf32>
    %add3A_289 = arith.addf %add3A_285, %get3A_288 : vector<16xf32>
    %get3A_290 = arith.constant 304 : index
    %get3A_291 = tpu.vector_load %arg14[%get3A_290] {strides = array<i32>} : memref<640xf32, #tpu.memory_space<vmem>>, vector<16xf32>,
    %get3A_292 = vector.shape_cast %get3A_291 : vector<16xf32> to vector<16xf32>
    %add3A_293 = arith.addf %add3A_289, %get3A_292 : vector<16xf32>
    %get3A_294 = arith.constant 384 : index
    %get3A_295 = tpu.vector_load %arg14[%get3A_294] {strides = array<i32>} : memref<640xf32, #tpu.memory_space<vmem>>, vector<16xf32>,
    %get3A_296 = vector.shape_cast %get3A_295 : vector<16xf32> to vector<16xf32>
    %add3A_297 = arith.addf %add3A_293, %get3A_296 : vector<16xf32>
    %get3A_298 = arith.constant 464 : index
    %get3A_299 = tpu.vector_load %arg14[%get3A_298] {strides = array<i32>} : memref<640xf32, #tpu.memory_space<vmem>>, vector<16xf32>,
    %get3A_300 = vector.shape_cast %get3A_299 : vector<16xf32> to vector<16xf32>
    %add3A_301 = arith.addf %add3A_297, %get3A_300 : vector<16xf32>
    %get3A_302 = arith.constant 544 : index
    %get3A_303 = tpu.vector_load %arg14[%get3A_302] {strides = array<i32>} : memref<640xf32, #tpu.memory_space<vmem>>, vector<16xf32>,
    %get3A_304 = vector.shape_cast %get3A_303 : vector<16xf32> to vector<16xf32>
    %add3A_305 = arith.addf %add3A_301, %get3A_304 : vector<16xf32>
    %get3A_306 = arith.constant 624 : index
    %get3A_307 = tpu.vector_load %arg14[%get3A_306] {strides = array<i32>} : memref<640xf32, #tpu.memory_space<vmem>>, vector<16xf32>,
    %get3A_308 = vector.shape_cast %get3A_307 : vector<16xf32> to vector<16xf32>
    %add3A_309 = arith.addf %add3A_305, %get3A_308 : vector<16xf32>
    %iota3A_310 = tpu.iota {dimensions = array<i32: 0>} : vector<16xi32>
    %xor3A = arith.constant 8 : i32
    %xor3A_311 = vector.broadcast %xor3A : i32 to vector<16xi32>
    %xor3A_312 = arith.xori %iota3A_310, %xor3A_311 : vector<16xi32>
    %lt3A_313 = arith.constant 0 : i32
    %lt3A_314 = vector.broadcast %lt3A_313 : i32 to vector<16xi32>
    %lt3A_315 = arith.cmpi slt, %xor3A_312, %lt3A_314 : vector<16xi32>
    %add3A_316 = arith.constant 16 : i32
    %add3A_317 = vector.broadcast %add3A_316 : i32 to vector<16xi32>
    %add3A_318 = arith.addi %xor3A_312, %add3A_317 : vector<16xi32>
    %select_n3A_319 = arith.select %lt3A_315, %add3A_318, %xor3A_312 : vector<16xi1>, vector<16xi32>
    %broadcast_in_dim3A_320 = vector.shape_cast %select_n3A_319 : vector<16xi32> to vector<16x1xi32>
    %gather3A = vector.shape_cast %broadcast_in_dim3A_320 : vector<16x1xi32> to vector<16xi32>
    %gather3A_321 = tpu.dynamic_gather %add3A_309[%gather3A] in [0] : vector<16xf32>, vector<16xi32> -> vector<16xf32>
    %add3A_322 = arith.addf %add3A_309, %gather3A_321 : vector<16xf32>
    %xor3A_323 = arith.constant 4 : i32
    %xor3A_324 = vector.broadcast %xor3A_323 : i32 to vector<16xi32>
    %xor3A_325 = arith.xori %iota3A_310, %xor3A_324 : vector<16xi32>
    %lt3A_326 = arith.constant 0 : i32
    %lt3A_327 = vector.broadcast %lt3A_326 : i32 to vector<16xi32>
    %lt3A_328 = arith.cmpi slt, %xor3A_325, %lt3A_327 : vector<16xi32>
    %add3A_329 = arith.constant 16 : i32
    %add3A_330 = vector.broadcast %add3A_329 : i32 to vector<16xi32>
    %add3A_331 = arith.addi %xor3A_325, %add3A_330 : vector<16xi32>
    %select_n3A_332 = arith.select %lt3A_328, %add3A_331, %xor3A_325 : vector<16xi1>, vector<16xi32>
    %broadcast_in_dim3A_333 = vector.shape_cast %select_n3A_332 : vector<16xi32> to vector<16x1xi32>
    %gather3A_334 = vector.shape_cast %broadcast_in_dim3A_333 : vector<16x1xi32> to vector<16xi32>
    %gather3A_335 = tpu.dynamic_gather %add3A_322[%gather3A_334] in [0] : vector<16xf32>, vector<16xi32> -> vector<16xf32>
    %add3A_336 = arith.addf %add3A_322, %gather3A_335 : vector<16xf32>
    %xor3A_337 = arith.constant 2 : i32
    %xor3A_338 = vector.broadcast %xor3A_337 : i32 to vector<16xi32>
    %xor3A_339 = arith.xori %iota3A_310, %xor3A_338 : vector<16xi32>
    %lt3A_340 = arith.constant 0 : i32
    %lt3A_341 = vector.broadcast %lt3A_340 : i32 to vector<16xi32>
    %lt3A_342 = arith.cmpi slt, %xor3A_339, %lt3A_341 : vector<16xi32>
    %add3A_343 = arith.constant 16 : i32
    %add3A_344 = vector.broadcast %add3A_343 : i32 to vector<16xi32>
    %add3A_345 = arith.addi %xor3A_339, %add3A_344 : vector<16xi32>
    %select_n3A_346 = arith.select %lt3A_342, %add3A_345, %xor3A_339 : vector<16xi1>, vector<16xi32>
    %broadcast_in_dim3A_347 = vector.shape_cast %select_n3A_346 : vector<16xi32> to vector<16x1xi32>
    %gather3A_348 = vector.shape_cast %broadcast_in_dim3A_347 : vector<16x1xi32> to vector<16xi32>
    %gather3A_349 = tpu.dynamic_gather %add3A_336[%gather3A_348] in [0] : vector<16xf32>, vector<16xi32> -> vector<16xf32>
    %add3A_350 = arith.addf %add3A_336, %gather3A_349 : vector<16xf32>
    %xor3A_351 = arith.constant 1 : i32
    %xor3A_352 = vector.broadcast %xor3A_351 : i32 to vector<16xi32>
    %xor3A_353 = arith.xori %iota3A_310, %xor3A_352 : vector<16xi32>
    %lt3A_354 = arith.constant 0 : i32
    %lt3A_355 = vector.broadcast %lt3A_354 : i32 to vector<16xi32>
    %lt3A_356 = arith.cmpi slt, %xor3A_353, %lt3A_355 : vector<16xi32>
    %add3A_357 = arith.constant 16 : i32
    %add3A_358 = vector.broadcast %add3A_357 : i32 to vector<16xi32>
    %add3A_359 = arith.addi %xor3A_353, %add3A_358 : vector<16xi32>
    %select_n3A_360 = arith.select %lt3A_356, %add3A_359, %xor3A_353 : vector<16xi1>, vector<16xi32>
    %broadcast_in_dim3A_361 = vector.shape_cast %select_n3A_360 : vector<16xi32> to vector<16x1xi32>
    %gather3A_362 = vector.shape_cast %broadcast_in_dim3A_361 : vector<16x1xi32> to vector<16xi32>
    %gather3A_363 = tpu.dynamic_gather %add3A_350[%gather3A_362] in [0] : vector<16xf32>, vector<16xi32> -> vector<16xf32>
    %add3A_364 = arith.addf %add3A_350, %gather3A_363 : vector<16xf32>
    %mul3A_365 = arith.constant 0.00173611112 : f32
    %mul3A_366 = vector.broadcast %mul3A_365 : f32 to vector<16xf32>
    %mul3A_367 = arith.mulf %add3A_364, %mul3A_366 : vector<16xf32>
    %swap3A_368 = arith.constant 0 : index
    %swap3A_369 = tpu.vector_load %arg11[%swap3A_368] {strides = array<i32>} : memref<64xf32, #tpu.memory_space<vmem>>, vector<16xf32>,
    %swap3A_370 = vector.shape_cast %swap3A_369 : vector<16xf32> to vector<16xf32>
    %swap3A_371 = vector.shape_cast %mul3A_367 : vector<16xf32> to vector<16xf32>
    tpu.vector_store %arg11[%swap3A_368], %swap3A_371 {strides = array<i32>} : memref<64xf32, #tpu.memory_space<vmem>>, vector<16xf32>,
    %swap3A_372 = arith.constant 16 : index
    %swap3A_373 = tpu.vector_load %arg11[%swap3A_372] {strides = array<i32>} : memref<64xf32, #tpu.memory_space<vmem>>, vector<16xf32>,
    %swap3A_374 = vector.shape_cast %swap3A_373 : vector<16xf32> to vector<16xf32>
    %swap3A_375 = vector.shape_cast %mul3A_367 : vector<16xf32> to vector<16xf32>
    tpu.vector_store %arg11[%swap3A_372], %swap3A_375 {strides = array<i32>} : memref<64xf32, #tpu.memory_space<vmem>>, vector<16xf32>,
    %swap3A_376 = arith.constant 32 : index
    %swap3A_377 = tpu.vector_load %arg11[%swap3A_376] {strides = array<i32>} : memref<64xf32, #tpu.memory_space<vmem>>, vector<16xf32>,
    %swap3A_378 = vector.shape_cast %swap3A_377 : vector<16xf32> to vector<16xf32>
    %swap3A_379 = vector.shape_cast %mul3A_367 : vector<16xf32> to vector<16xf32>
    tpu.vector_store %arg11[%swap3A_376], %swap3A_379 {strides = array<i32>} : memref<64xf32, #tpu.memory_space<vmem>>, vector<16xf32>,
    %swap3A_380 = arith.constant 48 : index
    %swap3A_381 = tpu.vector_load %arg11[%swap3A_380] {strides = array<i32>} : memref<64xf32, #tpu.memory_space<vmem>>, vector<16xf32>,
    %swap3A_382 = vector.shape_cast %swap3A_381 : vector<16xf32> to vector<16xf32>
    %swap3A_383 = vector.shape_cast %mul3A_367 : vector<16xf32> to vector<16xf32>
    tpu.vector_store %arg11[%swap3A_380], %swap3A_383 {strides = array<i32>} : memref<64xf32, #tpu.memory_space<vmem>>, vector<16xf32>,
    %mul3A_384 = arith.constant 8 : i32
    %mul3A_385 = arith.muli %rem3A_18, %mul3A_384 : i32
    %add3A_386 = arith.constant 0 : i32
    %add3A_387 = arith.addi %mul3A_385, %add3A_386 : i32
    %get3A_388 = arith.index_cast %add3A_387 : i32 to index
    %get3A_389 = tpu.vector_load %arg12[%get3A_388] {strides = array<i32>} : memref<80xf32, #tpu.memory_space<vmem>>, vector<16xf32>,
    %get3A_390 = vector.shape_cast %get3A_389 : vector<16xf32> to vector<16xf32>
    %lt3A_391 = arith.constant 0 : i32
    %lt3A_392 = vector.broadcast %lt3A_391 : i32 to vector<16xi32>
    %lt3A_393 = arith.cmpi slt, %broadcast_in_dim3A_48, %lt3A_392 : vector<16xi32>
    %add3A_394 = arith.constant 16 : i32
    %add3A_395 = vector.broadcast %add3A_394 : i32 to vector<16xi32>
    %add3A_396 = arith.addi %broadcast_in_dim3A_48, %add3A_395 : vector<16xi32>
    %select_n3A_397 = arith.select %lt3A_393, %add3A_396, %broadcast_in_dim3A_48 : vector<16xi1>, vector<16xi32>
    %broadcast_in_dim3A_398 = vector.shape_cast %select_n3A_397 : vector<16xi32> to vector<16x1xi32>
    %gather3A_399 = vector.shape_cast %broadcast_in_dim3A_398 : vector<16x1xi32> to vector<16xi32>
    %gather3A_400 = tpu.dynamic_gather %get3A_390[%gather3A_399] in [0] : vector<16xf32>, vector<16xi32> -> vector<16xf32>
    %mul3A_401 = arith.constant 8 : i32
    %mul3A_402 = arith.muli %rem3A_18, %mul3A_401 : i32
    %add3A_403 = arith.constant 1 : i32
    %add3A_404 = arith.addi %mul3A_402, %add3A_403 : i32
    %get3A_405 = arith.index_cast %add3A_404 : i32 to index
    %get3A_406 = tpu.vector_load %arg12[%get3A_405] {strides = array<i32>} : memref<80xf32, #tpu.memory_space<vmem>>, vector<16xf32>,
    %get3A_407 = vector.shape_cast %get3A_406 : vector<16xf32> to vector<16xf32>
    %lt3A_408 = arith.constant 0 : i32
    %lt3A_409 = vector.broadcast %lt3A_408 : i32 to vector<16xi32>
    %lt3A_410 = arith.cmpi slt, %broadcast_in_dim3A_48, %lt3A_409 : vector<16xi32>
    %add3A_411 = arith.constant 16 : i32
    %add3A_412 = vector.broadcast %add3A_411 : i32 to vector<16xi32>
    %add3A_413 = arith.addi %broadcast_in_dim3A_48, %add3A_412 : vector<16xi32>
    %select_n3A_414 = arith.select %lt3A_410, %add3A_413, %broadcast_in_dim3A_48 : vector<16xi1>, vector<16xi32>
    %broadcast_in_dim3A_415 = vector.shape_cast %select_n3A_414 : vector<16xi32> to vector<16x1xi32>
    %gather3A_416 = vector.shape_cast %broadcast_in_dim3A_415 : vector<16x1xi32> to vector<16xi32>
    %gather3A_417 = tpu.dynamic_gather %get3A_407[%gather3A_416] in [0] : vector<16xf32>, vector<16xi32> -> vector<16xf32>
    %mul3A_418 = arith.constant 8 : i32
    %mul3A_419 = arith.muli %rem3A_18, %mul3A_418 : i32
    %add3A_420 = arith.constant 2 : i32
    %add3A_421 = arith.addi %mul3A_419, %add3A_420 : i32
    %get3A_422 = arith.index_cast %add3A_421 : i32 to index
    %get3A_423 = tpu.vector_load %arg12[%get3A_422] {strides = array<i32>} : memref<80xf32, #tpu.memory_space<vmem>>, vector<16xf32>,
    %get3A_424 = vector.shape_cast %get3A_423 : vector<16xf32> to vector<16xf32>
    %lt3A_425 = arith.constant 0 : i32
    %lt3A_426 = vector.broadcast %lt3A_425 : i32 to vector<16xi32>
    %lt3A_427 = arith.cmpi slt, %broadcast_in_dim3A_48, %lt3A_426 : vector<16xi32>
    %add3A_428 = arith.constant 16 : i32
    %add3A_429 = vector.broadcast %add3A_428 : i32 to vector<16xi32>
    %add3A_430 = arith.addi %broadcast_in_dim3A_48, %add3A_429 : vector<16xi32>
    %select_n3A_431 = arith.select %lt3A_427, %add3A_430, %broadcast_in_dim3A_48 : vector<16xi1>, vector<16xi32>
    %broadcast_in_dim3A_432 = vector.shape_cast %select_n3A_431 : vector<16xi32> to vector<16x1xi32>
    %gather3A_433 = vector.shape_cast %broadcast_in_dim3A_432 : vector<16x1xi32> to vector<16xi32>
    %gather3A_434 = tpu.dynamic_gather %get3A_424[%gather3A_433] in [0] : vector<16xf32>, vector<16xi32> -> vector<16xf32>
    %mul3A_435 = arith.constant 8 : i32
    %mul3A_436 = arith.muli %rem3A_18, %mul3A_435 : i32
    %add3A_437 = arith.constant 3 : i32
    %add3A_438 = arith.addi %mul3A_436, %add3A_437 : i32
    %get3A_439 = arith.index_cast %add3A_438 : i32 to index
    %get3A_440 = tpu.vector_load %arg12[%get3A_439] {strides = array<i32>} : memref<80xf32, #tpu.memory_space<vmem>>, vector<16xf32>,
    %get3A_441 = vector.shape_cast %get3A_440 : vector<16xf32> to vector<16xf32>
    %lt3A_442 = arith.constant 0 : i32
    %lt3A_443 = vector.broadcast %lt3A_442 : i32 to vector<16xi32>
    %lt3A_444 = arith.cmpi slt, %broadcast_in_dim3A_48, %lt3A_443 : vector<16xi32>
    %add3A_445 = arith.constant 16 : i32
    %add3A_446 = vector.broadcast %add3A_445 : i32 to vector<16xi32>
    %add3A_447 = arith.addi %broadcast_in_dim3A_48, %add3A_446 : vector<16xi32>
    %select_n3A_448 = arith.select %lt3A_444, %add3A_447, %broadcast_in_dim3A_48 : vector<16xi1>, vector<16xi32>
    %broadcast_in_dim3A_449 = vector.shape_cast %select_n3A_448 : vector<16xi32> to vector<16x1xi32>
    %gather3A_450 = vector.shape_cast %broadcast_in_dim3A_449 : vector<16x1xi32> to vector<16xi32>
    %gather3A_451 = tpu.dynamic_gather %get3A_441[%gather3A_450] in [0] : vector<16xf32>, vector<16xi32> -> vector<16xf32>
    %mul3A_452 = arith.constant 8 : i32
    %mul3A_453 = arith.muli %rem3A_18, %mul3A_452 : i32
    %add3A_454 = arith.constant 4 : i32
    %add3A_455 = arith.addi %mul3A_453, %add3A_454 : i32
    %get3A_456 = arith.index_cast %add3A_455 : i32 to index
    %get3A_457 = tpu.vector_load %arg12[%get3A_456] {strides = array<i32>} : memref<80xf32, #tpu.memory_space<vmem>>, vector<16xf32>,
    %get3A_458 = vector.shape_cast %get3A_457 : vector<16xf32> to vector<16xf32>
    %lt3A_459 = arith.constant 0 : i32
    %lt3A_460 = vector.broadcast %lt3A_459 : i32 to vector<16xi32>
    %lt3A_461 = arith.cmpi slt, %broadcast_in_dim3A_48, %lt3A_460 : vector<16xi32>
    %add3A_462 = arith.constant 16 : i32
    %add3A_463 = vector.broadcast %add3A_462 : i32 to vector<16xi32>
    %add3A_464 = arith.addi %broadcast_in_dim3A_48, %add3A_463 : vector<16xi32>
    %select_n3A_465 = arith.select %lt3A_461, %add3A_464, %broadcast_in_dim3A_48 : vector<16xi1>, vector<16xi32>
    %broadcast_in_dim3A_466 = vector.shape_cast %select_n3A_465 : vector<16xi32> to vector<16x1xi32>
    %gather3A_467 = vector.shape_cast %broadcast_in_dim3A_466 : vector<16x1xi32> to vector<16xi32>
    %gather3A_468 = tpu.dynamic_gather %get3A_458[%gather3A_467] in [0] : vector<16xf32>, vector<16xi32> -> vector<16xf32>
    %mul3A_469 = arith.constant 8 : i32
    %mul3A_470 = arith.muli %rem3A_18, %mul3A_469 : i32
    %add3A_471 = arith.constant 5 : i32
    %add3A_472 = arith.addi %mul3A_470, %add3A_471 : i32
    %get3A_473 = arith.index_cast %add3A_472 : i32 to index
    %get3A_474 = tpu.vector_load %arg12[%get3A_473] {strides = array<i32>} : memref<80xf32, #tpu.memory_space<vmem>>, vector<16xf32>,
    %get3A_475 = vector.shape_cast %get3A_474 : vector<16xf32> to vector<16xf32>
    %lt3A_476 = arith.constant 0 : i32
    %lt3A_477 = vector.broadcast %lt3A_476 : i32 to vector<16xi32>
    %lt3A_478 = arith.cmpi slt, %broadcast_in_dim3A_48, %lt3A_477 : vector<16xi32>
    %add3A_479 = arith.constant 16 : i32
    %add3A_480 = vector.broadcast %add3A_479 : i32 to vector<16xi32>
    %add3A_481 = arith.addi %broadcast_in_dim3A_48, %add3A_480 : vector<16xi32>
    %select_n3A_482 = arith.select %lt3A_478, %add3A_481, %broadcast_in_dim3A_48 : vector<16xi1>, vector<16xi32>
    %broadcast_in_dim3A_483 = vector.shape_cast %select_n3A_482 : vector<16xi32> to vector<16x1xi32>
    %gather3A_484 = vector.shape_cast %broadcast_in_dim3A_483 : vector<16x1xi32> to vector<16xi32>
    %gather3A_485 = tpu.dynamic_gather %get3A_475[%gather3A_484] in [0] : vector<16xf32>, vector<16xi32> -> vector<16xf32>
    %mul3A_486 = arith.constant 8 : i32
    %mul3A_487 = arith.muli %rem3A_18, %mul3A_486 : i32
    %add3A_488 = arith.constant 6 : i32
    %add3A_489 = arith.addi %mul3A_487, %add3A_488 : i32
    %get3A_490 = arith.index_cast %add3A_489 : i32 to index
    %get3A_491 = tpu.vector_load %arg12[%get3A_490] {strides = array<i32>} : memref<80xf32, #tpu.memory_space<vmem>>, vector<16xf32>,
    %get3A_492 = vector.shape_cast %get3A_491 : vector<16xf32> to vector<16xf32>
    %lt3A_493 = arith.constant 0 : i32
    %lt3A_494 = vector.broadcast %lt3A_493 : i32 to vector<16xi32>
    %lt3A_495 = arith.cmpi slt, %broadcast_in_dim3A_48, %lt3A_494 : vector<16xi32>
    %add3A_496 = arith.constant 16 : i32
    %add3A_497 = vector.broadcast %add3A_496 : i32 to vector<16xi32>
    %add3A_498 = arith.addi %broadcast_in_dim3A_48, %add3A_497 : vector<16xi32>
    %select_n3A_499 = arith.select %lt3A_495, %add3A_498, %broadcast_in_dim3A_48 : vector<16xi1>, vector<16xi32>
    %broadcast_in_dim3A_500 = vector.shape_cast %select_n3A_499 : vector<16xi32> to vector<16x1xi32>
    %gather3A_501 = vector.shape_cast %broadcast_in_dim3A_500 : vector<16x1xi32> to vector<16xi32>
    %gather3A_502 = tpu.dynamic_gather %get3A_492[%gather3A_501] in [0] : vector<16xf32>, vector<16xi32> -> vector<16xf32>
    %mul3A_503 = arith.constant 8 : i32
    %mul3A_504 = arith.muli %rem3A_18, %mul3A_503 : i32
    %add3A_505 = arith.constant 7 : i32
    %add3A_506 = arith.addi %mul3A_504, %add3A_505 : i32
    %get3A_507 = arith.index_cast %add3A_506 : i32 to index
    %get3A_508 = tpu.vector_load %arg12[%get3A_507] {strides = array<i32>} : memref<80xf32, #tpu.memory_space<vmem>>, vector<16xf32>,
    %get3A_509 = vector.shape_cast %get3A_508 : vector<16xf32> to vector<16xf32>
    %lt3A_510 = arith.constant 0 : i32
    %lt3A_511 = vector.broadcast %lt3A_510 : i32 to vector<16xi32>
    %lt3A_512 = arith.cmpi slt, %broadcast_in_dim3A_48, %lt3A_511 : vector<16xi32>
    %add3A_513 = arith.constant 16 : i32
    %add3A_514 = vector.broadcast %add3A_513 : i32 to vector<16xi32>
    %add3A_515 = arith.addi %broadcast_in_dim3A_48, %add3A_514 : vector<16xi32>
    %select_n3A_516 = arith.select %lt3A_512, %add3A_515, %broadcast_in_dim3A_48 : vector<16xi1>, vector<16xi32>
    %broadcast_in_dim3A_517 = vector.shape_cast %select_n3A_516 : vector<16xi32> to vector<16x1xi32>
    %gather3A_518 = vector.shape_cast %broadcast_in_dim3A_517 : vector<16x1xi32> to vector<16xi32>
    %gather3A_519 = tpu.dynamic_gather %get3A_509[%gather3A_518] in [0] : vector<16xf32>, vector<16xi32> -> vector<16xf32>
    %dma_wait3A_520 = arith.constant 0 : i32
    %dma_wait3A_521 = tpu.memref_slice %arg4[%mul3A_34, %dma_wait3A_520] : memref<64x512xf32, #tpu.memory_space<hbm>> -> memref<8x512xf32, #tpu.memory_space<hbm>>
    %dma_wait3A_522 = arith.constant 0 : i32
    %dma_wait3A_523 = tpu.memref_slice %arg4[%mul3A_34, %dma_wait3A_522] : memref<64x512xf32, #tpu.memory_space<hbm>> -> memref<8x512xf32, #tpu.memory_space<hbm>>
    tpu.wait_dma2 semaphore(%arg23 : memref<!tpu.dma_semaphore, #tpu.memory_space<semaphore_mem>>) src(%dma_wait3A_523 : memref<8x512xf32, #tpu.memory_space<hbm>>) dst(%arg9 : memref<8x512xf32, #tpu.memory_space<vmem>>)
    %scan3A_524 = arith.constant 0 : i32
    %scan3A_525 = arith.constant 0 : i32
    %scan3A_526 = arith.constant 32 : i32
    %scan3A_527 = arith.addi %scan3A_525, %scan3A_526 : i32
    %scan3A_528 = arith.constant 1 : i32
    scf.for %scan3A_964 = %scan3A_525 to %scan3A_527 step %scan3A_528  : i32 {
      %mul3A_965 = arith.constant 16 : i32
      %mul3A_966 = arith.muli %scan3A_964, %mul3A_965 : i32
      %get3A_967 = arith.constant 0 : i32
      %get3A_968 = arith.index_cast %get3A_967 : i32 to index
      %get3A_969 = arith.index_cast %mul3A_966 : i32 to index
      %get3A_970 = tpu.vector_load %arg9[%get3A_968, %get3A_969] {strides = array<i32>} : memref<8x512xf32, #tpu.memory_space<vmem>>, vector<1x16xf32>,
      %get3A_971 = vector.shape_cast %get3A_970 : vector<1x16xf32> to vector<16xf32>
      %mul3A_972 = arith.mulf %add3A_364, %get3A_971 : vector<16xf32>
      %sub3A_973 = arith.subf %gather3A_400, %mul3A_972 : vector<16xf32>
      %mul3A_974 = arith.constant 16 : i32
      %mul3A_975 = arith.muli %scan3A_964, %mul3A_974 : i32
      %swap3A_976 = arith.constant 0 : i32
      %swap3A_977 = arith.index_cast %swap3A_976 : i32 to index
      %swap3A_978 = arith.index_cast %mul3A_975 : i32 to index
      %swap3A_979 = tpu.vector_load %arg10[%swap3A_977, %swap3A_978] {strides = array<i32>} : memref<8x512xf32, #tpu.memory_space<vmem>>, vector<1x16xf32>,
      %swap3A_980 = vector.shape_cast %swap3A_979 : vector<1x16xf32> to vector<16xf32>
      %swap3A_981 = vector.shape_cast %sub3A_973 : vector<16xf32> to vector<1x16xf32>
      tpu.vector_store %arg10[%swap3A_977, %swap3A_978], %swap3A_981 {strides = array<i32>} : memref<8x512xf32, #tpu.memory_space<vmem>>, vector<1x16xf32>,
      %mul3A_982 = arith.mulf %sub3A_973, %sub3A_973 : vector<16xf32>
      %add3A_983 = arith.addf %broadcast_in_dim3A_46, %mul3A_982 : vector<16xf32>
      %mul3A_984 = arith.constant 16 : i32
      %mul3A_985 = arith.muli %scan3A_964, %mul3A_984 : i32
      %get3A_986 = arith.constant 1 : i32
      %get3A_987 = arith.index_cast %get3A_986 : i32 to index
      %get3A_988 = arith.index_cast %mul3A_985 : i32 to index
      %get3A_989 = tpu.vector_load %arg9[%get3A_987, %get3A_988] {strides = array<i32>} : memref<8x512xf32, #tpu.memory_space<vmem>>, vector<1x16xf32>,
      %get3A_990 = vector.shape_cast %get3A_989 : vector<1x16xf32> to vector<16xf32>
      %mul3A_991 = arith.mulf %add3A_364, %get3A_990 : vector<16xf32>
      %sub3A_992 = arith.subf %gather3A_417, %mul3A_991 : vector<16xf32>
      %mul3A_993 = arith.constant 16 : i32
      %mul3A_994 = arith.muli %scan3A_964, %mul3A_993 : i32
      %swap3A_995 = arith.constant 1 : i32
      %swap3A_996 = arith.index_cast %swap3A_995 : i32 to index
      %swap3A_997 = arith.index_cast %mul3A_994 : i32 to index
      %swap3A_998 = tpu.vector_load %arg10[%swap3A_996, %swap3A_997] {strides = array<i32>} : memref<8x512xf32, #tpu.memory_space<vmem>>, vector<1x16xf32>,
      %swap3A_999 = vector.shape_cast %swap3A_998 : vector<1x16xf32> to vector<16xf32>
      %swap3A_1000 = vector.shape_cast %sub3A_992 : vector<16xf32> to vector<1x16xf32>
      tpu.vector_store %arg10[%swap3A_996, %swap3A_997], %swap3A_1000 {strides = array<i32>} : memref<8x512xf32, #tpu.memory_space<vmem>>, vector<1x16xf32>,
      %mul3A_1001 = arith.mulf %sub3A_992, %sub3A_992 : vector<16xf32>
      %add3A_1002 = arith.addf %add3A_983, %mul3A_1001 : vector<16xf32>
      %mul3A_1003 = arith.constant 16 : i32
      %mul3A_1004 = arith.muli %scan3A_964, %mul3A_1003 : i32
      %get3A_1005 = arith.constant 2 : i32
      %get3A_1006 = arith.index_cast %get3A_1005 : i32 to index
      %get3A_1007 = arith.index_cast %mul3A_1004 : i32 to index
      %get3A_1008 = tpu.vector_load %arg9[%get3A_1006, %get3A_1007] {strides = array<i32>} : memref<8x512xf32, #tpu.memory_space<vmem>>, vector<1x16xf32>,
      %get3A_1009 = vector.shape_cast %get3A_1008 : vector<1x16xf32> to vector<16xf32>
      %mul3A_1010 = arith.mulf %add3A_364, %get3A_1009 : vector<16xf32>
      %sub3A_1011 = arith.subf %gather3A_434, %mul3A_1010 : vector<16xf32>
      %mul3A_1012 = arith.constant 16 : i32
      %mul3A_1013 = arith.muli %scan3A_964, %mul3A_1012 : i32
      %swap3A_1014 = arith.constant 2 : i32
      %swap3A_1015 = arith.index_cast %swap3A_1014 : i32 to index
      %swap3A_1016 = arith.index_cast %mul3A_1013 : i32 to index
      %swap3A_1017 = tpu.vector_load %arg10[%swap3A_1015, %swap3A_1016] {strides = array<i32>} : memref<8x512xf32, #tpu.memory_space<vmem>>, vector<1x16xf32>,
      %swap3A_1018 = vector.shape_cast %swap3A_1017 : vector<1x16xf32> to vector<16xf32>
      %swap3A_1019 = vector.shape_cast %sub3A_1011 : vector<16xf32> to vector<1x16xf32>
      tpu.vector_store %arg10[%swap3A_1015, %swap3A_1016], %swap3A_1019 {strides = array<i32>} : memref<8x512xf32, #tpu.memory_space<vmem>>, vector<1x16xf32>,
      %mul3A_1020 = arith.mulf %sub3A_1011, %sub3A_1011 : vector<16xf32>
      %add3A_1021 = arith.addf %add3A_1002, %mul3A_1020 : vector<16xf32>
      %mul3A_1022 = arith.constant 16 : i32
      %mul3A_1023 = arith.muli %scan3A_964, %mul3A_1022 : i32
      %get3A_1024 = arith.constant 3 : i32
      %get3A_1025 = arith.index_cast %get3A_1024 : i32 to index
      %get3A_1026 = arith.index_cast %mul3A_1023 : i32 to index
      %get3A_1027 = tpu.vector_load %arg9[%get3A_1025, %get3A_1026] {strides = array<i32>} : memref<8x512xf32, #tpu.memory_space<vmem>>, vector<1x16xf32>,
      %get3A_1028 = vector.shape_cast %get3A_1027 : vector<1x16xf32> to vector<16xf32>
      %mul3A_1029 = arith.mulf %add3A_364, %get3A_1028 : vector<16xf32>
      %sub3A_1030 = arith.subf %gather3A_451, %mul3A_1029 : vector<16xf32>
      %mul3A_1031 = arith.constant 16 : i32
      %mul3A_1032 = arith.muli %scan3A_964, %mul3A_1031 : i32
      %swap3A_1033 = arith.constant 3 : i32
      %swap3A_1034 = arith.index_cast %swap3A_1033 : i32 to index
      %swap3A_1035 = arith.index_cast %mul3A_1032 : i32 to index
      %swap3A_1036 = tpu.vector_load %arg10[%swap3A_1034, %swap3A_1035] {strides = array<i32>} : memref<8x512xf32, #tpu.memory_space<vmem>>, vector<1x16xf32>,
      %swap3A_1037 = vector.shape_cast %swap3A_1036 : vector<1x16xf32> to vector<16xf32>
      %swap3A_1038 = vector.shape_cast %sub3A_1030 : vector<16xf32> to vector<1x16xf32>
      tpu.vector_store %arg10[%swap3A_1034, %swap3A_1035], %swap3A_1038 {strides = array<i32>} : memref<8x512xf32, #tpu.memory_space<vmem>>, vector<1x16xf32>,
      %mul3A_1039 = arith.mulf %sub3A_1030, %sub3A_1030 : vector<16xf32>
      %add3A_1040 = arith.addf %add3A_1021, %mul3A_1039 : vector<16xf32>
      %mul3A_1041 = arith.constant 16 : i32
      %mul3A_1042 = arith.muli %scan3A_964, %mul3A_1041 : i32
      %get3A_1043 = arith.constant 4 : i32
      %get3A_1044 = arith.index_cast %get3A_1043 : i32 to index
      %get3A_1045 = arith.index_cast %mul3A_1042 : i32 to index
      %get3A_1046 = tpu.vector_load %arg9[%get3A_1044, %get3A_1045] {strides = array<i32>} : memref<8x512xf32, #tpu.memory_space<vmem>>, vector<1x16xf32>,
      %get3A_1047 = vector.shape_cast %get3A_1046 : vector<1x16xf32> to vector<16xf32>
      %mul3A_1048 = arith.mulf %add3A_364, %get3A_1047 : vector<16xf32>
      %sub3A_1049 = arith.subf %gather3A_468, %mul3A_1048 : vector<16xf32>
      %mul3A_1050 = arith.constant 16 : i32
      %mul3A_1051 = arith.muli %scan3A_964, %mul3A_1050 : i32
      %swap3A_1052 = arith.constant 4 : i32
      %swap3A_1053 = arith.index_cast %swap3A_1052 : i32 to index
      %swap3A_1054 = arith.index_cast %mul3A_1051 : i32 to index
      %swap3A_1055 = tpu.vector_load %arg10[%swap3A_1053, %swap3A_1054] {strides = array<i32>} : memref<8x512xf32, #tpu.memory_space<vmem>>, vector<1x16xf32>,
      %swap3A_1056 = vector.shape_cast %swap3A_1055 : vector<1x16xf32> to vector<16xf32>
      %swap3A_1057 = vector.shape_cast %sub3A_1049 : vector<16xf32> to vector<1x16xf32>
      tpu.vector_store %arg10[%swap3A_1053, %swap3A_1054], %swap3A_1057 {strides = array<i32>} : memref<8x512xf32, #tpu.memory_space<vmem>>, vector<1x16xf32>,
      %mul3A_1058 = arith.mulf %sub3A_1049, %sub3A_1049 : vector<16xf32>
      %add3A_1059 = arith.addf %add3A_1040, %mul3A_1058 : vector<16xf32>
      %mul3A_1060 = arith.constant 16 : i32
      %mul3A_1061 = arith.muli %scan3A_964, %mul3A_1060 : i32
      %get3A_1062 = arith.constant 5 : i32
      %get3A_1063 = arith.index_cast %get3A_1062 : i32 to index
      %get3A_1064 = arith.index_cast %mul3A_1061 : i32 to index
      %get3A_1065 = tpu.vector_load %arg9[%get3A_1063, %get3A_1064] {strides = array<i32>} : memref<8x512xf32, #tpu.memory_space<vmem>>, vector<1x16xf32>,
      %get3A_1066 = vector.shape_cast %get3A_1065 : vector<1x16xf32> to vector<16xf32>
      %mul3A_1067 = arith.mulf %add3A_364, %get3A_1066 : vector<16xf32>
      %sub3A_1068 = arith.subf %gather3A_485, %mul3A_1067 : vector<16xf32>
      %mul3A_1069 = arith.constant 16 : i32
      %mul3A_1070 = arith.muli %scan3A_964, %mul3A_1069 : i32
      %swap3A_1071 = arith.constant 5 : i32
      %swap3A_1072 = arith.index_cast %swap3A_1071 : i32 to index
      %swap3A_1073 = arith.index_cast %mul3A_1070 : i32 to index
      %swap3A_1074 = tpu.vector_load %arg10[%swap3A_1072, %swap3A_1073] {strides = array<i32>} : memref<8x512xf32, #tpu.memory_space<vmem>>, vector<1x16xf32>,
      %swap3A_1075 = vector.shape_cast %swap3A_1074 : vector<1x16xf32> to vector<16xf32>
      %swap3A_1076 = vector.shape_cast %sub3A_1068 : vector<16xf32> to vector<1x16xf32>
      tpu.vector_store %arg10[%swap3A_1072, %swap3A_1073], %swap3A_1076 {strides = array<i32>} : memref<8x512xf32, #tpu.memory_space<vmem>>, vector<1x16xf32>,
      %mul3A_1077 = arith.mulf %sub3A_1068, %sub3A_1068 : vector<16xf32>
      %add3A_1078 = arith.addf %add3A_1059, %mul3A_1077 : vector<16xf32>
      %mul3A_1079 = arith.constant 16 : i32
      %mul3A_1080 = arith.muli %scan3A_964, %mul3A_1079 : i32
      %get3A_1081 = arith.constant 6 : i32
      %get3A_1082 = arith.index_cast %get3A_1081 : i32 to index
      %get3A_1083 = arith.index_cast %mul3A_1080 : i32 to index
      %get3A_1084 = tpu.vector_load %arg9[%get3A_1082, %get3A_1083] {strides = array<i32>} : memref<8x512xf32, #tpu.memory_space<vmem>>, vector<1x16xf32>,
      %get3A_1085 = vector.shape_cast %get3A_1084 : vector<1x16xf32> to vector<16xf32>
      %mul3A_1086 = arith.mulf %add3A_364, %get3A_1085 : vector<16xf32>
      %sub3A_1087 = arith.subf %gather3A_502, %mul3A_1086 : vector<16xf32>
      %mul3A_1088 = arith.constant 16 : i32
      %mul3A_1089 = arith.muli %scan3A_964, %mul3A_1088 : i32
      %swap3A_1090 = arith.constant 6 : i32
      %swap3A_1091 = arith.index_cast %swap3A_1090 : i32 to index
      %swap3A_1092 = arith.index_cast %mul3A_1089 : i32 to index
      %swap3A_1093 = tpu.vector_load %arg10[%swap3A_1091, %swap3A_1092] {strides = array<i32>} : memref<8x512xf32, #tpu.memory_space<vmem>>, vector<1x16xf32>,
      %swap3A_1094 = vector.shape_cast %swap3A_1093 : vector<1x16xf32> to vector<16xf32>
      %swap3A_1095 = vector.shape_cast %sub3A_1087 : vector<16xf32> to vector<1x16xf32>
      tpu.vector_store %arg10[%swap3A_1091, %swap3A_1092], %swap3A_1095 {strides = array<i32>} : memref<8x512xf32, #tpu.memory_space<vmem>>, vector<1x16xf32>,
      %mul3A_1096 = arith.mulf %sub3A_1087, %sub3A_1087 : vector<16xf32>
      %add3A_1097 = arith.addf %add3A_1078, %mul3A_1096 : vector<16xf32>
      %mul3A_1098 = arith.constant 16 : i32
      %mul3A_1099 = arith.muli %scan3A_964, %mul3A_1098 : i32
      %get3A_1100 = arith.constant 7 : i32
      %get3A_1101 = arith.index_cast %get3A_1100 : i32 to index
      %get3A_1102 = arith.index_cast %mul3A_1099 : i32 to index
      %get3A_1103 = tpu.vector_load %arg9[%get3A_1101, %get3A_1102] {strides = array<i32>} : memref<8x512xf32, #tpu.memory_space<vmem>>, vector<1x16xf32>,
      %get3A_1104 = vector.shape_cast %get3A_1103 : vector<1x16xf32> to vector<16xf32>
      %mul3A_1105 = arith.mulf %add3A_364, %get3A_1104 : vector<16xf32>
      %sub3A_1106 = arith.subf %gather3A_519, %mul3A_1105 : vector<16xf32>
      %mul3A_1107 = arith.constant 16 : i32
      %mul3A_1108 = arith.muli %scan3A_964, %mul3A_1107 : i32
      %swap3A_1109 = arith.constant 7 : i32
      %swap3A_1110 = arith.index_cast %swap3A_1109 : i32 to index
      %swap3A_1111 = arith.index_cast %mul3A_1108 : i32 to index
      %swap3A_1112 = tpu.vector_load %arg10[%swap3A_1110, %swap3A_1111] {strides = array<i32>} : memref<8x512xf32, #tpu.memory_space<vmem>>, vector<1x16xf32>,
      %swap3A_1113 = vector.shape_cast %swap3A_1112 : vector<1x16xf32> to vector<16xf32>
      %swap3A_1114 = vector.shape_cast %sub3A_1106 : vector<16xf32> to vector<1x16xf32>
      tpu.vector_store %arg10[%swap3A_1110, %swap3A_1111], %swap3A_1114 {strides = array<i32>} : memref<8x512xf32, #tpu.memory_space<vmem>>, vector<1x16xf32>,
      %mul3A_1115 = arith.mulf %sub3A_1106, %sub3A_1106 : vector<16xf32>
      %add3A_1116 = arith.addf %add3A_1097, %mul3A_1115 : vector<16xf32>
      %mul3A_1117 = arith.constant 16 : i32
      %mul3A_1118 = arith.muli %scan3A_964, %mul3A_1117 : i32
      %swap3A_1119 = arith.index_cast %mul3A_1118 : i32 to index
      %swap3A_1120 = tpu.vector_load %arg15[%swap3A_1119] {strides = array<i32>} : memref<512xf32, #tpu.memory_space<vmem>>, vector<16xf32>,
      %swap3A_1121 = vector.shape_cast %swap3A_1120 : vector<16xf32> to vector<16xf32>
      %swap3A_1122 = vector.shape_cast %add3A_1116 : vector<16xf32> to vector<16xf32>
      tpu.vector_store %arg15[%swap3A_1119], %swap3A_1122 {strides = array<i32>} : memref<512xf32, #tpu.memory_space<vmem>>, vector<16xf32>,
    }
    %scan3A_529 = arith.constant 32 : i32
    %mul3A_530 = arith.constant 512 : i32
    %mul3A_531 = arith.muli %arg1, %mul3A_530 : i32
    "tpu.region"() ({
      %run_scoped3A = tpu.sem_alloc : memref<!tpu.dma_semaphore, #tpu.memory_space<semaphore_mem>>
      %dma_start3A_964 = tpu.memref_slice %arg20[%mul3A_531] : memref<8192xf32, #tpu.memory_space<vmem_shared>> -> memref<512xf32, #tpu.memory_space<vmem_shared>>
      %dma_start3A_965 = tpu.memref_slice %arg20[%mul3A_531] : memref<8192xf32, #tpu.memory_space<vmem_shared>> -> memref<512xf32, #tpu.memory_space<vmem_shared>>
      tpu.enqueue_dma source(%arg15 : memref<512xf32, #tpu.memory_space<vmem>>) target(%dma_start3A_965 : memref<512xf32, #tpu.memory_space<vmem_shared>>) target_semaphore(%run_scoped3A : memref<!tpu.dma_semaphore, #tpu.memory_space<semaphore_mem>>)
      %dma_wait3A_966 = tpu.memref_slice %arg20[%mul3A_531] : memref<8192xf32, #tpu.memory_space<vmem_shared>> -> memref<512xf32, #tpu.memory_space<vmem_shared>>
      %dma_wait3A_967 = tpu.memref_slice %arg20[%mul3A_531] : memref<8192xf32, #tpu.memory_space<vmem_shared>> -> memref<512xf32, #tpu.memory_space<vmem_shared>>
      tpu.wait_dma2 semaphore(%run_scoped3A : memref<!tpu.dma_semaphore, #tpu.memory_space<semaphore_mem>>) src(%arg15 : memref<512xf32, #tpu.memory_space<vmem>>) dst(%dma_wait3A_967 : memref<512xf32, #tpu.memory_space<vmem_shared>>)
      tpu.yield
    }) : () -> ()
    %barrier3A_532 = arith.constant 0 : index
    tpu.barrier barrier_id(%barrier3A_532)
    %mul3A_533 = arith.constant 64 : i32
    %mul3A_534 = arith.muli %rem3A_18, %mul3A_533 : i32
    %add3A_535 = arith.constant 0 : i32
    %add3A_536 = arith.addi %mul3A_136, %add3A_535 : i32
    %mul3A_537 = arith.constant 512 : i32
    %mul3A_538 = arith.muli %add3A_536, %mul3A_537 : i32
    %add3A_539 = arith.addi %mul3A_538, %mul3A_534 : i32
    %dma_start3A_540 = arith.constant 0 : i32
    %dma_start3A_541 = tpu.memref_slice %arg16[%dma_start3A_540] : memref<512xf32, #tpu.memory_space<vmem>> -> memref<64xf32, #tpu.memory_space<vmem>>
    %dma_start3A_542 = tpu.memref_slice %arg20[%add3A_539] : memref<8192xf32, #tpu.memory_space<vmem_shared>> -> memref<64xf32, #tpu.memory_space<vmem_shared>>
    %dma_start3A_543 = arith.constant 0 : i32
    %dma_start3A_544 = tpu.memref_slice %arg16[%dma_start3A_543] : memref<512xf32, #tpu.memory_space<vmem>> -> memref<64xf32, #tpu.memory_space<vmem>>
    %dma_start3A_545 = tpu.memref_slice %arg20[%add3A_539] : memref<8192xf32, #tpu.memory_space<vmem_shared>> -> memref<64xf32, #tpu.memory_space<vmem_shared>>
    tpu.enqueue_dma source(%dma_start3A_545 : memref<64xf32, #tpu.memory_space<vmem_shared>>) target(%dma_start3A_544 : memref<64xf32, #tpu.memory_space<vmem>>) target_semaphore(%arg22 : memref<!tpu.dma_semaphore, #tpu.memory_space<semaphore_mem>>)
    %add3A_546 = arith.constant 1 : i32
    %add3A_547 = arith.addi %mul3A_136, %add3A_546 : i32
    %mul3A_548 = arith.constant 512 : i32
    %mul3A_549 = arith.muli %add3A_547, %mul3A_548 : i32
    %add3A_550 = arith.addi %mul3A_549, %mul3A_534 : i32
    %dma_start3A_551 = arith.constant 64 : i32
    %dma_start3A_552 = tpu.memref_slice %arg16[%dma_start3A_551] : memref<512xf32, #tpu.memory_space<vmem>> -> memref<64xf32, #tpu.memory_space<vmem>>
    %dma_start3A_553 = tpu.memref_slice %arg20[%add3A_550] : memref<8192xf32, #tpu.memory_space<vmem_shared>> -> memref<64xf32, #tpu.memory_space<vmem_shared>>
    %dma_start3A_554 = arith.constant 64 : i32
    %dma_start3A_555 = tpu.memref_slice %arg16[%dma_start3A_554] : memref<512xf32, #tpu.memory_space<vmem>> -> memref<64xf32, #tpu.memory_space<vmem>>
    %dma_start3A_556 = tpu.memref_slice %arg20[%add3A_550] : memref<8192xf32, #tpu.memory_space<vmem_shared>> -> memref<64xf32, #tpu.memory_space<vmem_shared>>
    tpu.enqueue_dma source(%dma_start3A_556 : memref<64xf32, #tpu.memory_space<vmem_shared>>) target(%dma_start3A_555 : memref<64xf32, #tpu.memory_space<vmem>>) target_semaphore(%arg22 : memref<!tpu.dma_semaphore, #tpu.memory_space<semaphore_mem>>)
    %add3A_557 = arith.constant 2 : i32
    %add3A_558 = arith.addi %mul3A_136, %add3A_557 : i32
    %mul3A_559 = arith.constant 512 : i32
    %mul3A_560 = arith.muli %add3A_558, %mul3A_559 : i32
    %add3A_561 = arith.addi %mul3A_560, %mul3A_534 : i32
    %dma_start3A_562 = arith.constant 128 : i32
    %dma_start3A_563 = tpu.memref_slice %arg16[%dma_start3A_562] : memref<512xf32, #tpu.memory_space<vmem>> -> memref<64xf32, #tpu.memory_space<vmem>>
    %dma_start3A_564 = tpu.memref_slice %arg20[%add3A_561] : memref<8192xf32, #tpu.memory_space<vmem_shared>> -> memref<64xf32, #tpu.memory_space<vmem_shared>>
    %dma_start3A_565 = arith.constant 128 : i32
    %dma_start3A_566 = tpu.memref_slice %arg16[%dma_start3A_565] : memref<512xf32, #tpu.memory_space<vmem>> -> memref<64xf32, #tpu.memory_space<vmem>>
    %dma_start3A_567 = tpu.memref_slice %arg20[%add3A_561] : memref<8192xf32, #tpu.memory_space<vmem_shared>> -> memref<64xf32, #tpu.memory_space<vmem_shared>>
    tpu.enqueue_dma source(%dma_start3A_567 : memref<64xf32, #tpu.memory_space<vmem_shared>>) target(%dma_start3A_566 : memref<64xf32, #tpu.memory_space<vmem>>) target_semaphore(%arg22 : memref<!tpu.dma_semaphore, #tpu.memory_space<semaphore_mem>>)
    %add3A_568 = arith.constant 3 : i32
    %add3A_569 = arith.addi %mul3A_136, %add3A_568 : i32
    %mul3A_570 = arith.constant 512 : i32
    %mul3A_571 = arith.muli %add3A_569, %mul3A_570 : i32
    %add3A_572 = arith.addi %mul3A_571, %mul3A_534 : i32
    %dma_start3A_573 = arith.constant 192 : i32
    %dma_start3A_574 = tpu.memref_slice %arg16[%dma_start3A_573] : memref<512xf32, #tpu.memory_space<vmem>> -> memref<64xf32, #tpu.memory_space<vmem>>
    %dma_start3A_575 = tpu.memref_slice %arg20[%add3A_572] : memref<8192xf32, #tpu.memory_space<vmem_shared>> -> memref<64xf32, #tpu.memory_space<vmem_shared>>
    %dma_start3A_576 = arith.constant 192 : i32
    %dma_start3A_577 = tpu.memref_slice %arg16[%dma_start3A_576] : memref<512xf32, #tpu.memory_space<vmem>> -> memref<64xf32, #tpu.memory_space<vmem>>
    %dma_start3A_578 = tpu.memref_slice %arg20[%add3A_572] : memref<8192xf32, #tpu.memory_space<vmem_shared>> -> memref<64xf32, #tpu.memory_space<vmem_shared>>
    tpu.enqueue_dma source(%dma_start3A_578 : memref<64xf32, #tpu.memory_space<vmem_shared>>) target(%dma_start3A_577 : memref<64xf32, #tpu.memory_space<vmem>>) target_semaphore(%arg22 : memref<!tpu.dma_semaphore, #tpu.memory_space<semaphore_mem>>)
    %add3A_579 = arith.constant 4 : i32
    %add3A_580 = arith.addi %mul3A_136, %add3A_579 : i32
    %mul3A_581 = arith.constant 512 : i32
    %mul3A_582 = arith.muli %add3A_580, %mul3A_581 : i32
    %add3A_583 = arith.addi %mul3A_582, %mul3A_534 : i32
    %dma_start3A_584 = arith.constant 256 : i32
    %dma_start3A_585 = tpu.memref_slice %arg16[%dma_start3A_584] : memref<512xf32, #tpu.memory_space<vmem>> -> memref<64xf32, #tpu.memory_space<vmem>>
    %dma_start3A_586 = tpu.memref_slice %arg20[%add3A_583] : memref<8192xf32, #tpu.memory_space<vmem_shared>> -> memref<64xf32, #tpu.memory_space<vmem_shared>>
    %dma_start3A_587 = arith.constant 256 : i32
    %dma_start3A_588 = tpu.memref_slice %arg16[%dma_start3A_587] : memref<512xf32, #tpu.memory_space<vmem>> -> memref<64xf32, #tpu.memory_space<vmem>>
    %dma_start3A_589 = tpu.memref_slice %arg20[%add3A_583] : memref<8192xf32, #tpu.memory_space<vmem_shared>> -> memref<64xf32, #tpu.memory_space<vmem_shared>>
    tpu.enqueue_dma source(%dma_start3A_589 : memref<64xf32, #tpu.memory_space<vmem_shared>>) target(%dma_start3A_588 : memref<64xf32, #tpu.memory_space<vmem>>) target_semaphore(%arg22 : memref<!tpu.dma_semaphore, #tpu.memory_space<semaphore_mem>>)
    %add3A_590 = arith.constant 5 : i32
    %add3A_591 = arith.addi %mul3A_136, %add3A_590 : i32
    %mul3A_592 = arith.constant 512 : i32
    %mul3A_593 = arith.muli %add3A_591, %mul3A_592 : i32
    %add3A_594 = arith.addi %mul3A_593, %mul3A_534 : i32
    %dma_start3A_595 = arith.constant 320 : i32
    %dma_start3A_596 = tpu.memref_slice %arg16[%dma_start3A_595] : memref<512xf32, #tpu.memory_space<vmem>> -> memref<64xf32, #tpu.memory_space<vmem>>
    %dma_start3A_597 = tpu.memref_slice %arg20[%add3A_594] : memref<8192xf32, #tpu.memory_space<vmem_shared>> -> memref<64xf32, #tpu.memory_space<vmem_shared>>
    %dma_start3A_598 = arith.constant 320 : i32
    %dma_start3A_599 = tpu.memref_slice %arg16[%dma_start3A_598] : memref<512xf32, #tpu.memory_space<vmem>> -> memref<64xf32, #tpu.memory_space<vmem>>
    %dma_start3A_600 = tpu.memref_slice %arg20[%add3A_594] : memref<8192xf32, #tpu.memory_space<vmem_shared>> -> memref<64xf32, #tpu.memory_space<vmem_shared>>
    tpu.enqueue_dma source(%dma_start3A_600 : memref<64xf32, #tpu.memory_space<vmem_shared>>) target(%dma_start3A_599 : memref<64xf32, #tpu.memory_space<vmem>>) target_semaphore(%arg22 : memref<!tpu.dma_semaphore, #tpu.memory_space<semaphore_mem>>)
    %add3A_601 = arith.constant 6 : i32
    %add3A_602 = arith.addi %mul3A_136, %add3A_601 : i32
    %mul3A_603 = arith.constant 512 : i32
    %mul3A_604 = arith.muli %add3A_602, %mul3A_603 : i32
    %add3A_605 = arith.addi %mul3A_604, %mul3A_534 : i32
    %dma_start3A_606 = arith.constant 384 : i32
    %dma_start3A_607 = tpu.memref_slice %arg16[%dma_start3A_606] : memref<512xf32, #tpu.memory_space<vmem>> -> memref<64xf32, #tpu.memory_space<vmem>>
    %dma_start3A_608 = tpu.memref_slice %arg20[%add3A_605] : memref<8192xf32, #tpu.memory_space<vmem_shared>> -> memref<64xf32, #tpu.memory_space<vmem_shared>>
    %dma_start3A_609 = arith.constant 384 : i32
    %dma_start3A_610 = tpu.memref_slice %arg16[%dma_start3A_609] : memref<512xf32, #tpu.memory_space<vmem>> -> memref<64xf32, #tpu.memory_space<vmem>>
    %dma_start3A_611 = tpu.memref_slice %arg20[%add3A_605] : memref<8192xf32, #tpu.memory_space<vmem_shared>> -> memref<64xf32, #tpu.memory_space<vmem_shared>>
    tpu.enqueue_dma source(%dma_start3A_611 : memref<64xf32, #tpu.memory_space<vmem_shared>>) target(%dma_start3A_610 : memref<64xf32, #tpu.memory_space<vmem>>) target_semaphore(%arg22 : memref<!tpu.dma_semaphore, #tpu.memory_space<semaphore_mem>>)
    %add3A_612 = arith.constant 7 : i32
    %add3A_613 = arith.addi %mul3A_136, %add3A_612 : i32
    %mul3A_614 = arith.constant 512 : i32
    %mul3A_615 = arith.muli %add3A_613, %mul3A_614 : i32
    %add3A_616 = arith.addi %mul3A_615, %mul3A_534 : i32
    %dma_start3A_617 = arith.constant 448 : i32
    %dma_start3A_618 = tpu.memref_slice %arg16[%dma_start3A_617] : memref<512xf32, #tpu.memory_space<vmem>> -> memref<64xf32, #tpu.memory_space<vmem>>
    %dma_start3A_619 = tpu.memref_slice %arg20[%add3A_616] : memref<8192xf32, #tpu.memory_space<vmem_shared>> -> memref<64xf32, #tpu.memory_space<vmem_shared>>
    %dma_start3A_620 = arith.constant 448 : i32
    %dma_start3A_621 = tpu.memref_slice %arg16[%dma_start3A_620] : memref<512xf32, #tpu.memory_space<vmem>> -> memref<64xf32, #tpu.memory_space<vmem>>
    %dma_start3A_622 = tpu.memref_slice %arg20[%add3A_616] : memref<8192xf32, #tpu.memory_space<vmem_shared>> -> memref<64xf32, #tpu.memory_space<vmem_shared>>
    tpu.enqueue_dma source(%dma_start3A_622 : memref<64xf32, #tpu.memory_space<vmem_shared>>) target(%dma_start3A_621 : memref<64xf32, #tpu.memory_space<vmem>>) target_semaphore(%arg22 : memref<!tpu.dma_semaphore, #tpu.memory_space<semaphore_mem>>)
    %dma_wait3A_623 = arith.constant 0 : i32
    %dma_wait3A_624 = tpu.memref_slice %arg16[%dma_wait3A_623] : memref<512xf32, #tpu.memory_space<vmem>> -> memref<64xf32, #tpu.memory_space<vmem>>
    %dma_wait3A_625 = tpu.memref_slice %arg20[%add3A_539] : memref<8192xf32, #tpu.memory_space<vmem_shared>> -> memref<64xf32, #tpu.memory_space<vmem_shared>>
    %dma_wait3A_626 = arith.constant 0 : i32
    %dma_wait3A_627 = tpu.memref_slice %arg16[%dma_wait3A_626] : memref<512xf32, #tpu.memory_space<vmem>> -> memref<64xf32, #tpu.memory_space<vmem>>
    %dma_wait3A_628 = tpu.memref_slice %arg20[%add3A_539] : memref<8192xf32, #tpu.memory_space<vmem_shared>> -> memref<64xf32, #tpu.memory_space<vmem_shared>>
    tpu.wait_dma2 semaphore(%arg22 : memref<!tpu.dma_semaphore, #tpu.memory_space<semaphore_mem>>) src(%dma_wait3A_628 : memref<64xf32, #tpu.memory_space<vmem_shared>>) dst(%dma_wait3A_627 : memref<64xf32, #tpu.memory_space<vmem>>)
    %dma_wait3A_629 = arith.constant 64 : i32
    %dma_wait3A_630 = tpu.memref_slice %arg16[%dma_wait3A_629] : memref<512xf32, #tpu.memory_space<vmem>> -> memref<64xf32, #tpu.memory_space<vmem>>
    %dma_wait3A_631 = tpu.memref_slice %arg20[%add3A_550] : memref<8192xf32, #tpu.memory_space<vmem_shared>> -> memref<64xf32, #tpu.memory_space<vmem_shared>>
    %dma_wait3A_632 = arith.constant 64 : i32
    %dma_wait3A_633 = tpu.memref_slice %arg16[%dma_wait3A_632] : memref<512xf32, #tpu.memory_space<vmem>> -> memref<64xf32, #tpu.memory_space<vmem>>
    %dma_wait3A_634 = tpu.memref_slice %arg20[%add3A_550] : memref<8192xf32, #tpu.memory_space<vmem_shared>> -> memref<64xf32, #tpu.memory_space<vmem_shared>>
    tpu.wait_dma2 semaphore(%arg22 : memref<!tpu.dma_semaphore, #tpu.memory_space<semaphore_mem>>) src(%dma_wait3A_634 : memref<64xf32, #tpu.memory_space<vmem_shared>>) dst(%dma_wait3A_633 : memref<64xf32, #tpu.memory_space<vmem>>)
    %dma_wait3A_635 = arith.constant 128 : i32
    %dma_wait3A_636 = tpu.memref_slice %arg16[%dma_wait3A_635] : memref<512xf32, #tpu.memory_space<vmem>> -> memref<64xf32, #tpu.memory_space<vmem>>
    %dma_wait3A_637 = tpu.memref_slice %arg20[%add3A_561] : memref<8192xf32, #tpu.memory_space<vmem_shared>> -> memref<64xf32, #tpu.memory_space<vmem_shared>>
    %dma_wait3A_638 = arith.constant 128 : i32
    %dma_wait3A_639 = tpu.memref_slice %arg16[%dma_wait3A_638] : memref<512xf32, #tpu.memory_space<vmem>> -> memref<64xf32, #tpu.memory_space<vmem>>
    %dma_wait3A_640 = tpu.memref_slice %arg20[%add3A_561] : memref<8192xf32, #tpu.memory_space<vmem_shared>> -> memref<64xf32, #tpu.memory_space<vmem_shared>>
    tpu.wait_dma2 semaphore(%arg22 : memref<!tpu.dma_semaphore, #tpu.memory_space<semaphore_mem>>) src(%dma_wait3A_640 : memref<64xf32, #tpu.memory_space<vmem_shared>>) dst(%dma_wait3A_639 : memref<64xf32, #tpu.memory_space<vmem>>)
    %dma_wait3A_641 = arith.constant 192 : i32
    %dma_wait3A_642 = tpu.memref_slice %arg16[%dma_wait3A_641] : memref<512xf32, #tpu.memory_space<vmem>> -> memref<64xf32, #tpu.memory_space<vmem>>
    %dma_wait3A_643 = tpu.memref_slice %arg20[%add3A_572] : memref<8192xf32, #tpu.memory_space<vmem_shared>> -> memref<64xf32, #tpu.memory_space<vmem_shared>>
    %dma_wait3A_644 = arith.constant 192 : i32
    %dma_wait3A_645 = tpu.memref_slice %arg16[%dma_wait3A_644] : memref<512xf32, #tpu.memory_space<vmem>> -> memref<64xf32, #tpu.memory_space<vmem>>
    %dma_wait3A_646 = tpu.memref_slice %arg20[%add3A_572] : memref<8192xf32, #tpu.memory_space<vmem_shared>> -> memref<64xf32, #tpu.memory_space<vmem_shared>>
    tpu.wait_dma2 semaphore(%arg22 : memref<!tpu.dma_semaphore, #tpu.memory_space<semaphore_mem>>) src(%dma_wait3A_646 : memref<64xf32, #tpu.memory_space<vmem_shared>>) dst(%dma_wait3A_645 : memref<64xf32, #tpu.memory_space<vmem>>)
    %dma_wait3A_647 = arith.constant 256 : i32
    %dma_wait3A_648 = tpu.memref_slice %arg16[%dma_wait3A_647] : memref<512xf32, #tpu.memory_space<vmem>> -> memref<64xf32, #tpu.memory_space<vmem>>
    %dma_wait3A_649 = tpu.memref_slice %arg20[%add3A_583] : memref<8192xf32, #tpu.memory_space<vmem_shared>> -> memref<64xf32, #tpu.memory_space<vmem_shared>>
    %dma_wait3A_650 = arith.constant 256 : i32
    %dma_wait3A_651 = tpu.memref_slice %arg16[%dma_wait3A_650] : memref<512xf32, #tpu.memory_space<vmem>> -> memref<64xf32, #tpu.memory_space<vmem>>
    %dma_wait3A_652 = tpu.memref_slice %arg20[%add3A_583] : memref<8192xf32, #tpu.memory_space<vmem_shared>> -> memref<64xf32, #tpu.memory_space<vmem_shared>>
    tpu.wait_dma2 semaphore(%arg22 : memref<!tpu.dma_semaphore, #tpu.memory_space<semaphore_mem>>) src(%dma_wait3A_652 : memref<64xf32, #tpu.memory_space<vmem_shared>>) dst(%dma_wait3A_651 : memref<64xf32, #tpu.memory_space<vmem>>)
    %dma_wait3A_653 = arith.constant 320 : i32
    %dma_wait3A_654 = tpu.memref_slice %arg16[%dma_wait3A_653] : memref<512xf32, #tpu.memory_space<vmem>> -> memref<64xf32, #tpu.memory_space<vmem>>
    %dma_wait3A_655 = tpu.memref_slice %arg20[%add3A_594] : memref<8192xf32, #tpu.memory_space<vmem_shared>> -> memref<64xf32, #tpu.memory_space<vmem_shared>>
    %dma_wait3A_656 = arith.constant 320 : i32
    %dma_wait3A_657 = tpu.memref_slice %arg16[%dma_wait3A_656] : memref<512xf32, #tpu.memory_space<vmem>> -> memref<64xf32, #tpu.memory_space<vmem>>
    %dma_wait3A_658 = tpu.memref_slice %arg20[%add3A_594] : memref<8192xf32, #tpu.memory_space<vmem_shared>> -> memref<64xf32, #tpu.memory_space<vmem_shared>>
    tpu.wait_dma2 semaphore(%arg22 : memref<!tpu.dma_semaphore, #tpu.memory_space<semaphore_mem>>) src(%dma_wait3A_658 : memref<64xf32, #tpu.memory_space<vmem_shared>>) dst(%dma_wait3A_657 : memref<64xf32, #tpu.memory_space<vmem>>)
    %dma_wait3A_659 = arith.constant 384 : i32
    %dma_wait3A_660 = tpu.memref_slice %arg16[%dma_wait3A_659] : memref<512xf32, #tpu.memory_space<vmem>> -> memref<64xf32, #tpu.memory_space<vmem>>
    %dma_wait3A_661 = tpu.memref_slice %arg20[%add3A_605] : memref<8192xf32, #tpu.memory_space<vmem_shared>> -> memref<64xf32, #tpu.memory_space<vmem_shared>>
    %dma_wait3A_662 = arith.constant 384 : i32
    %dma_wait3A_663 = tpu.memref_slice %arg16[%dma_wait3A_662] : memref<512xf32, #tpu.memory_space<vmem>> -> memref<64xf32, #tpu.memory_space<vmem>>
    %dma_wait3A_664 = tpu.memref_slice %arg20[%add3A_605] : memref<8192xf32, #tpu.memory_space<vmem_shared>> -> memref<64xf32, #tpu.memory_space<vmem_shared>>
    tpu.wait_dma2 semaphore(%arg22 : memref<!tpu.dma_semaphore, #tpu.memory_space<semaphore_mem>>) src(%dma_wait3A_664 : memref<64xf32, #tpu.memory_space<vmem_shared>>) dst(%dma_wait3A_663 : memref<64xf32, #tpu.memory_space<vmem>>)
    %dma_wait3A_665 = arith.constant 448 : i32
    %dma_wait3A_666 = tpu.memref_slice %arg16[%dma_wait3A_665] : memref<512xf32, #tpu.memory_space<vmem>> -> memref<64xf32, #tpu.memory_space<vmem>>
    %dma_wait3A_667 = tpu.memref_slice %arg20[%add3A_616] : memref<8192xf32, #tpu.memory_space<vmem_shared>> -> memref<64xf32, #tpu.memory_space<vmem_shared>>
    %dma_wait3A_668 = arith.constant 448 : i32
    %dma_wait3A_669 = tpu.memref_slice %arg16[%dma_wait3A_668] : memref<512xf32, #tpu.memory_space<vmem>> -> memref<64xf32, #tpu.memory_space<vmem>>
    %dma_wait3A_670 = tpu.memref_slice %arg20[%add3A_616] : memref<8192xf32, #tpu.memory_space<vmem_shared>> -> memref<64xf32, #tpu.memory_space<vmem_shared>>
    tpu.wait_dma2 semaphore(%arg22 : memref<!tpu.dma_semaphore, #tpu.memory_space<semaphore_mem>>) src(%dma_wait3A_670 : memref<64xf32, #tpu.memory_space<vmem_shared>>) dst(%dma_wait3A_669 : memref<64xf32, #tpu.memory_space<vmem>>)
    %get3A_671 = arith.constant 0 : index
    %get3A_672 = tpu.vector_load %arg16[%get3A_671] {strides = array<i32>} : memref<512xf32, #tpu.memory_space<vmem>>, vector<16xf32>,
    %get3A_673 = vector.shape_cast %get3A_672 : vector<16xf32> to vector<16xf32>
    %get3A_674 = arith.constant 64 : index
    %get3A_675 = tpu.vector_load %arg16[%get3A_674] {strides = array<i32>} : memref<512xf32, #tpu.memory_space<vmem>>, vector<16xf32>,
    %get3A_676 = vector.shape_cast %get3A_675 : vector<16xf32> to vector<16xf32>
    %add3A_677 = arith.addf %get3A_673, %get3A_676 : vector<16xf32>
    %get3A_678 = arith.constant 128 : index
    %get3A_679 = tpu.vector_load %arg16[%get3A_678] {strides = array<i32>} : memref<512xf32, #tpu.memory_space<vmem>>, vector<16xf32>,
    %get3A_680 = vector.shape_cast %get3A_679 : vector<16xf32> to vector<16xf32>
    %add3A_681 = arith.addf %add3A_677, %get3A_680 : vector<16xf32>
    %get3A_682 = arith.constant 192 : index
    %get3A_683 = tpu.vector_load %arg16[%get3A_682] {strides = array<i32>} : memref<512xf32, #tpu.memory_space<vmem>>, vector<16xf32>,
    %get3A_684 = vector.shape_cast %get3A_683 : vector<16xf32> to vector<16xf32>
    %add3A_685 = arith.addf %add3A_681, %get3A_684 : vector<16xf32>
    %get3A_686 = arith.constant 256 : index
    %get3A_687 = tpu.vector_load %arg16[%get3A_686] {strides = array<i32>} : memref<512xf32, #tpu.memory_space<vmem>>, vector<16xf32>,
    %get3A_688 = vector.shape_cast %get3A_687 : vector<16xf32> to vector<16xf32>
    %add3A_689 = arith.addf %add3A_685, %get3A_688 : vector<16xf32>
    %get3A_690 = arith.constant 320 : index
    %get3A_691 = tpu.vector_load %arg16[%get3A_690] {strides = array<i32>} : memref<512xf32, #tpu.memory_space<vmem>>, vector<16xf32>,
    %get3A_692 = vector.shape_cast %get3A_691 : vector<16xf32> to vector<16xf32>
    %add3A_693 = arith.addf %add3A_689, %get3A_692 : vector<16xf32>
    %get3A_694 = arith.constant 384 : index
    %get3A_695 = tpu.vector_load %arg16[%get3A_694] {strides = array<i32>} : memref<512xf32, #tpu.memory_space<vmem>>, vector<16xf32>,
    %get3A_696 = vector.shape_cast %get3A_695 : vector<16xf32> to vector<16xf32>
    %add3A_697 = arith.addf %add3A_693, %get3A_696 : vector<16xf32>
    %get3A_698 = arith.constant 448 : index
    %get3A_699 = tpu.vector_load %arg16[%get3A_698] {strides = array<i32>} : memref<512xf32, #tpu.memory_space<vmem>>, vector<16xf32>,
    %get3A_700 = vector.shape_cast %get3A_699 : vector<16xf32> to vector<16xf32>
    %add3A_701 = arith.addf %add3A_697, %get3A_700 : vector<16xf32>
    %bitcast_convert_type3A = tpu.bitcast %add3A_701 : vector<16xf32> -> vector<16xi32>
    %shift_right_logical3A = arith.constant 1 : i32
    %shift_right_logical3A_702 = vector.broadcast %shift_right_logical3A : i32 to vector<16xi32>
    %shift_right_logical3A_703 = arith.shrui %bitcast_convert_type3A, %shift_right_logical3A_702 : vector<16xi32>
    %sub3A_704 = arith.constant 1597463007 : i32
    %sub3A_705 = vector.broadcast %sub3A_704 : i32 to vector<16xi32>
    %sub3A_706 = arith.subi %sub3A_705, %shift_right_logical3A_703 : vector<16xi32>
    %bitcast_convert_type3A_707 = tpu.bitcast %sub3A_706 : vector<16xi32> -> vector<16xf32>
    %mul3A_708 = arith.constant 5.000000e-01 : f32
    %mul3A_709 = vector.broadcast %mul3A_708 : f32 to vector<16xf32>
    %mul3A_710 = arith.mulf %add3A_701, %mul3A_709 : vector<16xf32>
    %mul3A_711 = arith.mulf %mul3A_710, %bitcast_convert_type3A_707 : vector<16xf32>
    %mul3A_712 = arith.mulf %mul3A_711, %bitcast_convert_type3A_707 : vector<16xf32>
    %sub3A_713 = arith.constant 1.500000e+00 : f32
    %sub3A_714 = vector.broadcast %sub3A_713 : f32 to vector<16xf32>
    %sub3A_715 = arith.subf %sub3A_714, %mul3A_712 : vector<16xf32>
    %mul3A_716 = arith.mulf %bitcast_convert_type3A_707, %sub3A_715 : vector<16xf32>
    %mul3A_717 = arith.mulf %mul3A_710, %mul3A_716 : vector<16xf32>
    %mul3A_718 = arith.mulf %mul3A_717, %mul3A_716 : vector<16xf32>
    %sub3A_719 = arith.constant 1.500000e+00 : f32
    %sub3A_720 = vector.broadcast %sub3A_719 : f32 to vector<16xf32>
    %sub3A_721 = arith.subf %sub3A_720, %mul3A_718 : vector<16xf32>
    %mul3A_722 = arith.mulf %mul3A_716, %sub3A_721 : vector<16xf32>
    %mul3A_723 = arith.mulf %add3A_701, %mul3A_722 : vector<16xf32>
    %add3A_724 = arith.constant 9.99999997E-7 : f32
    %add3A_725 = vector.broadcast %add3A_724 : f32 to vector<16xf32>
    %add3A_726 = arith.addf %mul3A_723, %add3A_725 : vector<16xf32>
    %div3A_727 = arith.constant 1.000000e+00 : f32
    %div3A_728 = vector.broadcast %div3A_727 : f32 to vector<16xf32>
    %div3A_729 = arith.divf %div3A_728, %add3A_726 : vector<16xf32>
    %swap3A_730 = arith.constant 0 : index
    %swap3A_731 = tpu.vector_load %arg17[%swap3A_730] {strides = array<i32>} : memref<64xf32, #tpu.memory_space<vmem>>, vector<16xf32>,
    %swap3A_732 = vector.shape_cast %swap3A_731 : vector<16xf32> to vector<16xf32>
    %swap3A_733 = vector.shape_cast %div3A_729 : vector<16xf32> to vector<16xf32>
    tpu.vector_store %arg17[%swap3A_730], %swap3A_733 {strides = array<i32>} : memref<64xf32, #tpu.memory_space<vmem>>, vector<16xf32>,
    %get3A_734 = arith.constant 16 : index
    %get3A_735 = tpu.vector_load %arg16[%get3A_734] {strides = array<i32>} : memref<512xf32, #tpu.memory_space<vmem>>, vector<16xf32>,
    %get3A_736 = vector.shape_cast %get3A_735 : vector<16xf32> to vector<16xf32>
    %get3A_737 = arith.constant 80 : index
    %get3A_738 = tpu.vector_load %arg16[%get3A_737] {strides = array<i32>} : memref<512xf32, #tpu.memory_space<vmem>>, vector<16xf32>,
    %get3A_739 = vector.shape_cast %get3A_738 : vector<16xf32> to vector<16xf32>
    %add3A_740 = arith.addf %get3A_736, %get3A_739 : vector<16xf32>
    %get3A_741 = arith.constant 144 : index
    %get3A_742 = tpu.vector_load %arg16[%get3A_741] {strides = array<i32>} : memref<512xf32, #tpu.memory_space<vmem>>, vector<16xf32>,
    %get3A_743 = vector.shape_cast %get3A_742 : vector<16xf32> to vector<16xf32>
    %add3A_744 = arith.addf %add3A_740, %get3A_743 : vector<16xf32>
    %get3A_745 = arith.constant 208 : index
    %get3A_746 = tpu.vector_load %arg16[%get3A_745] {strides = array<i32>} : memref<512xf32, #tpu.memory_space<vmem>>, vector<16xf32>,
    %get3A_747 = vector.shape_cast %get3A_746 : vector<16xf32> to vector<16xf32>
    %add3A_748 = arith.addf %add3A_744, %get3A_747 : vector<16xf32>
    %get3A_749 = arith.constant 272 : index
    %get3A_750 = tpu.vector_load %arg16[%get3A_749] {strides = array<i32>} : memref<512xf32, #tpu.memory_space<vmem>>, vector<16xf32>,
    %get3A_751 = vector.shape_cast %get3A_750 : vector<16xf32> to vector<16xf32>
    %add3A_752 = arith.addf %add3A_748, %get3A_751 : vector<16xf32>
    %get3A_753 = arith.constant 336 : index
    %get3A_754 = tpu.vector_load %arg16[%get3A_753] {strides = array<i32>} : memref<512xf32, #tpu.memory_space<vmem>>, vector<16xf32>,
    %get3A_755 = vector.shape_cast %get3A_754 : vector<16xf32> to vector<16xf32>
    %add3A_756 = arith.addf %add3A_752, %get3A_755 : vector<16xf32>
    %get3A_757 = arith.constant 400 : index
    %get3A_758 = tpu.vector_load %arg16[%get3A_757] {strides = array<i32>} : memref<512xf32, #tpu.memory_space<vmem>>, vector<16xf32>,
    %get3A_759 = vector.shape_cast %get3A_758 : vector<16xf32> to vector<16xf32>
    %add3A_760 = arith.addf %add3A_756, %get3A_759 : vector<16xf32>
    %get3A_761 = arith.constant 464 : index
    %get3A_762 = tpu.vector_load %arg16[%get3A_761] {strides = array<i32>} : memref<512xf32, #tpu.memory_space<vmem>>, vector<16xf32>,
    %get3A_763 = vector.shape_cast %get3A_762 : vector<16xf32> to vector<16xf32>
    %add3A_764 = arith.addf %add3A_760, %get3A_763 : vector<16xf32>
    %bitcast_convert_type3A_765 = tpu.bitcast %add3A_764 : vector<16xf32> -> vector<16xi32>
    %shift_right_logical3A_766 = arith.constant 1 : i32
    %shift_right_logical3A_767 = vector.broadcast %shift_right_logical3A_766 : i32 to vector<16xi32>
    %shift_right_logical3A_768 = arith.shrui %bitcast_convert_type3A_765, %shift_right_logical3A_767 : vector<16xi32>
    %sub3A_769 = arith.constant 1597463007 : i32
    %sub3A_770 = vector.broadcast %sub3A_769 : i32 to vector<16xi32>
    %sub3A_771 = arith.subi %sub3A_770, %shift_right_logical3A_768 : vector<16xi32>
    %bitcast_convert_type3A_772 = tpu.bitcast %sub3A_771 : vector<16xi32> -> vector<16xf32>
    %mul3A_773 = arith.constant 5.000000e-01 : f32
    %mul3A_774 = vector.broadcast %mul3A_773 : f32 to vector<16xf32>
    %mul3A_775 = arith.mulf %add3A_764, %mul3A_774 : vector<16xf32>
    %mul3A_776 = arith.mulf %mul3A_775, %bitcast_convert_type3A_772 : vector<16xf32>
    %mul3A_777 = arith.mulf %mul3A_776, %bitcast_convert_type3A_772 : vector<16xf32>
    %sub3A_778 = arith.constant 1.500000e+00 : f32
    %sub3A_779 = vector.broadcast %sub3A_778 : f32 to vector<16xf32>
    %sub3A_780 = arith.subf %sub3A_779, %mul3A_777 : vector<16xf32>
    %mul3A_781 = arith.mulf %bitcast_convert_type3A_772, %sub3A_780 : vector<16xf32>
    %mul3A_782 = arith.mulf %mul3A_775, %mul3A_781 : vector<16xf32>
    %mul3A_783 = arith.mulf %mul3A_782, %mul3A_781 : vector<16xf32>
    %sub3A_784 = arith.constant 1.500000e+00 : f32
    %sub3A_785 = vector.broadcast %sub3A_784 : f32 to vector<16xf32>
    %sub3A_786 = arith.subf %sub3A_785, %mul3A_783 : vector<16xf32>
    %mul3A_787 = arith.mulf %mul3A_781, %sub3A_786 : vector<16xf32>
    %mul3A_788 = arith.mulf %add3A_764, %mul3A_787 : vector<16xf32>
    %add3A_789 = arith.constant 9.99999997E-7 : f32
    %add3A_790 = vector.broadcast %add3A_789 : f32 to vector<16xf32>
    %add3A_791 = arith.addf %mul3A_788, %add3A_790 : vector<16xf32>
    %div3A_792 = arith.constant 1.000000e+00 : f32
    %div3A_793 = vector.broadcast %div3A_792 : f32 to vector<16xf32>
    %div3A_794 = arith.divf %div3A_793, %add3A_791 : vector<16xf32>
    %swap3A_795 = arith.constant 16 : index
    %swap3A_796 = tpu.vector_load %arg17[%swap3A_795] {strides = array<i32>} : memref<64xf32, #tpu.memory_space<vmem>>, vector<16xf32>,
    %swap3A_797 = vector.shape_cast %swap3A_796 : vector<16xf32> to vector<16xf32>
    %swap3A_798 = vector.shape_cast %div3A_794 : vector<16xf32> to vector<16xf32>
    tpu.vector_store %arg17[%swap3A_795], %swap3A_798 {strides = array<i32>} : memref<64xf32, #tpu.memory_space<vmem>>, vector<16xf32>,
    %get3A_799 = arith.constant 32 : index
    %get3A_800 = tpu.vector_load %arg16[%get3A_799] {strides = array<i32>} : memref<512xf32, #tpu.memory_space<vmem>>, vector<16xf32>,
    %get3A_801 = vector.shape_cast %get3A_800 : vector<16xf32> to vector<16xf32>
    %get3A_802 = arith.constant 96 : index
    %get3A_803 = tpu.vector_load %arg16[%get3A_802] {strides = array<i32>} : memref<512xf32, #tpu.memory_space<vmem>>, vector<16xf32>,
    %get3A_804 = vector.shape_cast %get3A_803 : vector<16xf32> to vector<16xf32>
    %add3A_805 = arith.addf %get3A_801, %get3A_804 : vector<16xf32>
    %get3A_806 = arith.constant 160 : index
    %get3A_807 = tpu.vector_load %arg16[%get3A_806] {strides = array<i32>} : memref<512xf32, #tpu.memory_space<vmem>>, vector<16xf32>,
    %get3A_808 = vector.shape_cast %get3A_807 : vector<16xf32> to vector<16xf32>
    %add3A_809 = arith.addf %add3A_805, %get3A_808 : vector<16xf32>
    %get3A_810 = arith.constant 224 : index
    %get3A_811 = tpu.vector_load %arg16[%get3A_810] {strides = array<i32>} : memref<512xf32, #tpu.memory_space<vmem>>, vector<16xf32>,
    %get3A_812 = vector.shape_cast %get3A_811 : vector<16xf32> to vector<16xf32>
    %add3A_813 = arith.addf %add3A_809, %get3A_812 : vector<16xf32>
    %get3A_814 = arith.constant 288 : index
    %get3A_815 = tpu.vector_load %arg16[%get3A_814] {strides = array<i32>} : memref<512xf32, #tpu.memory_space<vmem>>, vector<16xf32>,
    %get3A_816 = vector.shape_cast %get3A_815 : vector<16xf32> to vector<16xf32>
    %add3A_817 = arith.addf %add3A_813, %get3A_816 : vector<16xf32>
    %get3A_818 = arith.constant 352 : index
    %get3A_819 = tpu.vector_load %arg16[%get3A_818] {strides = array<i32>} : memref<512xf32, #tpu.memory_space<vmem>>, vector<16xf32>,
    %get3A_820 = vector.shape_cast %get3A_819 : vector<16xf32> to vector<16xf32>
    %add3A_821 = arith.addf %add3A_817, %get3A_820 : vector<16xf32>
    %get3A_822 = arith.constant 416 : index
    %get3A_823 = tpu.vector_load %arg16[%get3A_822] {strides = array<i32>} : memref<512xf32, #tpu.memory_space<vmem>>, vector<16xf32>,
    %get3A_824 = vector.shape_cast %get3A_823 : vector<16xf32> to vector<16xf32>
    %add3A_825 = arith.addf %add3A_821, %get3A_824 : vector<16xf32>
    %get3A_826 = arith.constant 480 : index
    %get3A_827 = tpu.vector_load %arg16[%get3A_826] {strides = array<i32>} : memref<512xf32, #tpu.memory_space<vmem>>, vector<16xf32>,
    %get3A_828 = vector.shape_cast %get3A_827 : vector<16xf32> to vector<16xf32>
    %add3A_829 = arith.addf %add3A_825, %get3A_828 : vector<16xf32>
    %bitcast_convert_type3A_830 = tpu.bitcast %add3A_829 : vector<16xf32> -> vector<16xi32>
    %shift_right_logical3A_831 = arith.constant 1 : i32
    %shift_right_logical3A_832 = vector.broadcast %shift_right_logical3A_831 : i32 to vector<16xi32>
    %shift_right_logical3A_833 = arith.shrui %bitcast_convert_type3A_830, %shift_right_logical3A_832 : vector<16xi32>
    %sub3A_834 = arith.constant 1597463007 : i32
    %sub3A_835 = vector.broadcast %sub3A_834 : i32 to vector<16xi32>
    %sub3A_836 = arith.subi %sub3A_835, %shift_right_logical3A_833 : vector<16xi32>
    %bitcast_convert_type3A_837 = tpu.bitcast %sub3A_836 : vector<16xi32> -> vector<16xf32>
    %mul3A_838 = arith.constant 5.000000e-01 : f32
    %mul3A_839 = vector.broadcast %mul3A_838 : f32 to vector<16xf32>
    %mul3A_840 = arith.mulf %add3A_829, %mul3A_839 : vector<16xf32>
    %mul3A_841 = arith.mulf %mul3A_840, %bitcast_convert_type3A_837 : vector<16xf32>
    %mul3A_842 = arith.mulf %mul3A_841, %bitcast_convert_type3A_837 : vector<16xf32>
    %sub3A_843 = arith.constant 1.500000e+00 : f32
    %sub3A_844 = vector.broadcast %sub3A_843 : f32 to vector<16xf32>
    %sub3A_845 = arith.subf %sub3A_844, %mul3A_842 : vector<16xf32>
    %mul3A_846 = arith.mulf %bitcast_convert_type3A_837, %sub3A_845 : vector<16xf32>
    %mul3A_847 = arith.mulf %mul3A_840, %mul3A_846 : vector<16xf32>
    %mul3A_848 = arith.mulf %mul3A_847, %mul3A_846 : vector<16xf32>
    %sub3A_849 = arith.constant 1.500000e+00 : f32
    %sub3A_850 = vector.broadcast %sub3A_849 : f32 to vector<16xf32>
    %sub3A_851 = arith.subf %sub3A_850, %mul3A_848 : vector<16xf32>
    %mul3A_852 = arith.mulf %mul3A_846, %sub3A_851 : vector<16xf32>
    %mul3A_853 = arith.mulf %add3A_829, %mul3A_852 : vector<16xf32>
    %add3A_854 = arith.constant 9.99999997E-7 : f32
    %add3A_855 = vector.broadcast %add3A_854 : f32 to vector<16xf32>
    %add3A_856 = arith.addf %mul3A_853, %add3A_855 : vector<16xf32>
    %div3A_857 = arith.constant 1.000000e+00 : f32
    %div3A_858 = vector.broadcast %div3A_857 : f32 to vector<16xf32>
    %div3A_859 = arith.divf %div3A_858, %add3A_856 : vector<16xf32>
    %swap3A_860 = arith.constant 32 : index
    %swap3A_861 = tpu.vector_load %arg17[%swap3A_860] {strides = array<i32>} : memref<64xf32, #tpu.memory_space<vmem>>, vector<16xf32>,
    %swap3A_862 = vector.shape_cast %swap3A_861 : vector<16xf32> to vector<16xf32>
    %swap3A_863 = vector.shape_cast %div3A_859 : vector<16xf32> to vector<16xf32>
    tpu.vector_store %arg17[%swap3A_860], %swap3A_863 {strides = array<i32>} : memref<64xf32, #tpu.memory_space<vmem>>, vector<16xf32>,
    %get3A_864 = arith.constant 48 : index
    %get3A_865 = tpu.vector_load %arg16[%get3A_864] {strides = array<i32>} : memref<512xf32, #tpu.memory_space<vmem>>, vector<16xf32>,
    %get3A_866 = vector.shape_cast %get3A_865 : vector<16xf32> to vector<16xf32>
    %get3A_867 = arith.constant 112 : index
    %get3A_868 = tpu.vector_load %arg16[%get3A_867] {strides = array<i32>} : memref<512xf32, #tpu.memory_space<vmem>>, vector<16xf32>,
    %get3A_869 = vector.shape_cast %get3A_868 : vector<16xf32> to vector<16xf32>
    %add3A_870 = arith.addf %get3A_866, %get3A_869 : vector<16xf32>
    %get3A_871 = arith.constant 176 : index
    %get3A_872 = tpu.vector_load %arg16[%get3A_871] {strides = array<i32>} : memref<512xf32, #tpu.memory_space<vmem>>, vector<16xf32>,
    %get3A_873 = vector.shape_cast %get3A_872 : vector<16xf32> to vector<16xf32>
    %add3A_874 = arith.addf %add3A_870, %get3A_873 : vector<16xf32>
    %get3A_875 = arith.constant 240 : index
    %get3A_876 = tpu.vector_load %arg16[%get3A_875] {strides = array<i32>} : memref<512xf32, #tpu.memory_space<vmem>>, vector<16xf32>,
    %get3A_877 = vector.shape_cast %get3A_876 : vector<16xf32> to vector<16xf32>
    %add3A_878 = arith.addf %add3A_874, %get3A_877 : vector<16xf32>
    %get3A_879 = arith.constant 304 : index
    %get3A_880 = tpu.vector_load %arg16[%get3A_879] {strides = array<i32>} : memref<512xf32, #tpu.memory_space<vmem>>, vector<16xf32>,
    %get3A_881 = vector.shape_cast %get3A_880 : vector<16xf32> to vector<16xf32>
    %add3A_882 = arith.addf %add3A_878, %get3A_881 : vector<16xf32>
    %get3A_883 = arith.constant 368 : index
    %get3A_884 = tpu.vector_load %arg16[%get3A_883] {strides = array<i32>} : memref<512xf32, #tpu.memory_space<vmem>>, vector<16xf32>,
    %get3A_885 = vector.shape_cast %get3A_884 : vector<16xf32> to vector<16xf32>
    %add3A_886 = arith.addf %add3A_882, %get3A_885 : vector<16xf32>
    %get3A_887 = arith.constant 432 : index
    %get3A_888 = tpu.vector_load %arg16[%get3A_887] {strides = array<i32>} : memref<512xf32, #tpu.memory_space<vmem>>, vector<16xf32>,
    %get3A_889 = vector.shape_cast %get3A_888 : vector<16xf32> to vector<16xf32>
    %add3A_890 = arith.addf %add3A_886, %get3A_889 : vector<16xf32>
    %get3A_891 = arith.constant 496 : index
    %get3A_892 = tpu.vector_load %arg16[%get3A_891] {strides = array<i32>} : memref<512xf32, #tpu.memory_space<vmem>>, vector<16xf32>,
    %get3A_893 = vector.shape_cast %get3A_892 : vector<16xf32> to vector<16xf32>
    %add3A_894 = arith.addf %add3A_890, %get3A_893 : vector<16xf32>
    %bitcast_convert_type3A_895 = tpu.bitcast %add3A_894 : vector<16xf32> -> vector<16xi32>
    %shift_right_logical3A_896 = arith.constant 1 : i32
    %shift_right_logical3A_897 = vector.broadcast %shift_right_logical3A_896 : i32 to vector<16xi32>
    %shift_right_logical3A_898 = arith.shrui %bitcast_convert_type3A_895, %shift_right_logical3A_897 : vector<16xi32>
    %sub3A_899 = arith.constant 1597463007 : i32
    %sub3A_900 = vector.broadcast %sub3A_899 : i32 to vector<16xi32>
    %sub3A_901 = arith.subi %sub3A_900, %shift_right_logical3A_898 : vector<16xi32>
    %bitcast_convert_type3A_902 = tpu.bitcast %sub3A_901 : vector<16xi32> -> vector<16xf32>
    %mul3A_903 = arith.constant 5.000000e-01 : f32
    %mul3A_904 = vector.broadcast %mul3A_903 : f32 to vector<16xf32>
    %mul3A_905 = arith.mulf %add3A_894, %mul3A_904 : vector<16xf32>
    %mul3A_906 = arith.mulf %mul3A_905, %bitcast_convert_type3A_902 : vector<16xf32>
    %mul3A_907 = arith.mulf %mul3A_906, %bitcast_convert_type3A_902 : vector<16xf32>
    %sub3A_908 = arith.constant 1.500000e+00 : f32
    %sub3A_909 = vector.broadcast %sub3A_908 : f32 to vector<16xf32>
    %sub3A_910 = arith.subf %sub3A_909, %mul3A_907 : vector<16xf32>
    %mul3A_911 = arith.mulf %bitcast_convert_type3A_902, %sub3A_910 : vector<16xf32>
    %mul3A_912 = arith.mulf %mul3A_905, %mul3A_911 : vector<16xf32>
    %mul3A_913 = arith.mulf %mul3A_912, %mul3A_911 : vector<16xf32>
    %sub3A_914 = arith.constant 1.500000e+00 : f32
    %sub3A_915 = vector.broadcast %sub3A_914 : f32 to vector<16xf32>
    %sub3A_916 = arith.subf %sub3A_915, %mul3A_913 : vector<16xf32>
    %mul3A_917 = arith.mulf %mul3A_911, %sub3A_916 : vector<16xf32>
    %mul3A_918 = arith.mulf %add3A_894, %mul3A_917 : vector<16xf32>
    %add3A_919 = arith.constant 9.99999997E-7 : f32
    %add3A_920 = vector.broadcast %add3A_919 : f32 to vector<16xf32>
    %add3A_921 = arith.addf %mul3A_918, %add3A_920 : vector<16xf32>
    %div3A_922 = arith.constant 1.000000e+00 : f32
    %div3A_923 = vector.broadcast %div3A_922 : f32 to vector<16xf32>
    %div3A_924 = arith.divf %div3A_923, %add3A_921 : vector<16xf32>
    %swap3A_925 = arith.constant 48 : index
    %swap3A_926 = tpu.vector_load %arg17[%swap3A_925] {strides = array<i32>} : memref<64xf32, #tpu.memory_space<vmem>>, vector<16xf32>,
    %swap3A_927 = vector.shape_cast %swap3A_926 : vector<16xf32> to vector<16xf32>
    %swap3A_928 = vector.shape_cast %div3A_924 : vector<16xf32> to vector<16xf32>
    tpu.vector_store %arg17[%swap3A_925], %swap3A_928 {strides = array<i32>} : memref<64xf32, #tpu.memory_space<vmem>>, vector<16xf32>,
    %mul3A_929 = arith.constant 64 : i32
    %mul3A_930 = arith.muli %arg1, %mul3A_929 : i32
    "tpu.region"() ({
      %run_scoped3A = tpu.sem_alloc : memref<!tpu.dma_semaphore, #tpu.memory_space<semaphore_mem>>
      %dma_start3A_964 = tpu.memref_slice %arg21[%mul3A_930] : memref<1024xf32, #tpu.memory_space<vmem_shared>> -> memref<64xf32, #tpu.memory_space<vmem_shared>>
      %dma_start3A_965 = tpu.memref_slice %arg21[%mul3A_930] : memref<1024xf32, #tpu.memory_space<vmem_shared>> -> memref<64xf32, #tpu.memory_space<vmem_shared>>
      tpu.enqueue_dma source(%arg17 : memref<64xf32, #tpu.memory_space<vmem>>) target(%dma_start3A_965 : memref<64xf32, #tpu.memory_space<vmem_shared>>) target_semaphore(%run_scoped3A : memref<!tpu.dma_semaphore, #tpu.memory_space<semaphore_mem>>)
      %dma_wait3A_966 = tpu.memref_slice %arg21[%mul3A_930] : memref<1024xf32, #tpu.memory_space<vmem_shared>> -> memref<64xf32, #tpu.memory_space<vmem_shared>>
      %dma_wait3A_967 = tpu.memref_slice %arg21[%mul3A_930] : memref<1024xf32, #tpu.memory_space<vmem_shared>> -> memref<64xf32, #tpu.memory_space<vmem_shared>>
      tpu.wait_dma2 semaphore(%run_scoped3A : memref<!tpu.dma_semaphore, #tpu.memory_space<semaphore_mem>>) src(%arg17 : memref<64xf32, #tpu.memory_space<vmem>>) dst(%dma_wait3A_967 : memref<64xf32, #tpu.memory_space<vmem_shared>>)
      tpu.yield
    }) : () -> ()
    %barrier3A_931 = arith.constant 0 : index
    tpu.barrier barrier_id(%barrier3A_931)
    %mul3A_932 = arith.constant 64 : i32
    %mul3A_933 = arith.muli %mul3A_136, %mul3A_932 : i32
    "tpu.region"() ({
      %run_scoped3A = tpu.sem_alloc : memref<!tpu.dma_semaphore, #tpu.memory_space<semaphore_mem>>
      %dma_start3A_964 = tpu.memref_slice %arg21[%mul3A_933] : memref<1024xf32, #tpu.memory_space<vmem_shared>> -> memref<512xf32, #tpu.memory_space<vmem_shared>>
      %dma_start3A_965 = tpu.memref_slice %arg21[%mul3A_933] : memref<1024xf32, #tpu.memory_space<vmem_shared>> -> memref<512xf32, #tpu.memory_space<vmem_shared>>
      tpu.enqueue_dma source(%dma_start3A_965 : memref<512xf32, #tpu.memory_space<vmem_shared>>) target(%arg18 : memref<512xf32, #tpu.memory_space<vmem>>) target_semaphore(%run_scoped3A : memref<!tpu.dma_semaphore, #tpu.memory_space<semaphore_mem>>)
      %dma_wait3A_966 = tpu.memref_slice %arg21[%mul3A_933] : memref<1024xf32, #tpu.memory_space<vmem_shared>> -> memref<512xf32, #tpu.memory_space<vmem_shared>>
      %dma_wait3A_967 = tpu.memref_slice %arg21[%mul3A_933] : memref<1024xf32, #tpu.memory_space<vmem_shared>> -> memref<512xf32, #tpu.memory_space<vmem_shared>>
      tpu.wait_dma2 semaphore(%run_scoped3A : memref<!tpu.dma_semaphore, #tpu.memory_space<semaphore_mem>>) src(%dma_wait3A_967 : memref<512xf32, #tpu.memory_space<vmem_shared>>) dst(%arg18 : memref<512xf32, #tpu.memory_space<vmem>>)
      tpu.yield
    }) : () -> ()
    %scan3A_934 = arith.constant 0 : i32
    %scan3A_935 = arith.constant 0 : i32
    %scan3A_936 = arith.constant 32 : i32
    %scan3A_937 = arith.addi %scan3A_935, %scan3A_936 : i32
    %scan3A_938 = arith.constant 1 : i32
    scf.for %scan3A_964 = %scan3A_935 to %scan3A_937 step %scan3A_938  : i32 {
      %mul3A_965 = arith.constant 16 : i32
      %mul3A_966 = arith.muli %scan3A_964, %mul3A_965 : i32
      %get3A_967 = arith.index_cast %mul3A_966 : i32 to index
      %get3A_968 = tpu.vector_load %arg18[%get3A_967] {strides = array<i32>} : memref<512xf32, #tpu.memory_space<vmem>>, vector<16xf32>,
      %get3A_969 = vector.shape_cast %get3A_968 : vector<16xf32> to vector<16xf32>
      %mul3A_970 = arith.constant 16 : i32
      %mul3A_971 = arith.muli %scan3A_964, %mul3A_970 : i32
      %get3A_972 = arith.constant 0 : i32
      %get3A_973 = arith.index_cast %get3A_972 : i32 to index
      %get3A_974 = arith.index_cast %mul3A_971 : i32 to index
      %get3A_975 = tpu.vector_load %arg10[%get3A_973, %get3A_974] {strides = array<i32>} : memref<8x512xf32, #tpu.memory_space<vmem>>, vector<1x16xf32>,
      %get3A_976 = vector.shape_cast %get3A_975 : vector<1x16xf32> to vector<16xf32>
      %mul3A_977 = arith.mulf %get3A_976, %get3A_969 : vector<16xf32>
      %mul3A_978 = arith.constant 16 : i32
      %mul3A_979 = arith.muli %scan3A_964, %mul3A_978 : i32
      %swap3A_980 = arith.constant 0 : i32
      %swap3A_981 = arith.index_cast %swap3A_980 : i32 to index
      %swap3A_982 = arith.index_cast %mul3A_979 : i32 to index
      %swap3A_983 = tpu.vector_load %arg10[%swap3A_981, %swap3A_982] {strides = array<i32>} : memref<8x512xf32, #tpu.memory_space<vmem>>, vector<1x16xf32>,
      %swap3A_984 = vector.shape_cast %swap3A_983 : vector<1x16xf32> to vector<16xf32>
      %swap3A_985 = vector.shape_cast %mul3A_977 : vector<16xf32> to vector<1x16xf32>
      tpu.vector_store %arg10[%swap3A_981, %swap3A_982], %swap3A_985 {strides = array<i32>} : memref<8x512xf32, #tpu.memory_space<vmem>>, vector<1x16xf32>,
      %mul3A_986 = arith.constant 16 : i32
      %mul3A_987 = arith.muli %scan3A_964, %mul3A_986 : i32
      %get3A_988 = arith.constant 1 : i32
      %get3A_989 = arith.index_cast %get3A_988 : i32 to index
      %get3A_990 = arith.index_cast %mul3A_987 : i32 to index
      %get3A_991 = tpu.vector_load %arg10[%get3A_989, %get3A_990] {strides = array<i32>} : memref<8x512xf32, #tpu.memory_space<vmem>>, vector<1x16xf32>,
      %get3A_992 = vector.shape_cast %get3A_991 : vector<1x16xf32> to vector<16xf32>
      %mul3A_993 = arith.mulf %get3A_992, %get3A_969 : vector<16xf32>
      %mul3A_994 = arith.constant 16 : i32
      %mul3A_995 = arith.muli %scan3A_964, %mul3A_994 : i32
      %swap3A_996 = arith.constant 1 : i32
      %swap3A_997 = arith.index_cast %swap3A_996 : i32 to index
      %swap3A_998 = arith.index_cast %mul3A_995 : i32 to index
      %swap3A_999 = tpu.vector_load %arg10[%swap3A_997, %swap3A_998] {strides = array<i32>} : memref<8x512xf32, #tpu.memory_space<vmem>>, vector<1x16xf32>,
      %swap3A_1000 = vector.shape_cast %swap3A_999 : vector<1x16xf32> to vector<16xf32>
      %swap3A_1001 = vector.shape_cast %mul3A_993 : vector<16xf32> to vector<1x16xf32>
      tpu.vector_store %arg10[%swap3A_997, %swap3A_998], %swap3A_1001 {strides = array<i32>} : memref<8x512xf32, #tpu.memory_space<vmem>>, vector<1x16xf32>,
      %mul3A_1002 = arith.constant 16 : i32
      %mul3A_1003 = arith.muli %scan3A_964, %mul3A_1002 : i32
      %get3A_1004 = arith.constant 2 : i32
      %get3A_1005 = arith.index_cast %get3A_1004 : i32 to index
      %get3A_1006 = arith.index_cast %mul3A_1003 : i32 to index
      %get3A_1007 = tpu.vector_load %arg10[%get3A_1005, %get3A_1006] {strides = array<i32>} : memref<8x512xf32, #tpu.memory_space<vmem>>, vector<1x16xf32>,
      %get3A_1008 = vector.shape_cast %get3A_1007 : vector<1x16xf32> to vector<16xf32>
      %mul3A_1009 = arith.mulf %get3A_1008, %get3A_969 : vector<16xf32>
      %mul3A_1010 = arith.constant 16 : i32
      %mul3A_1011 = arith.muli %scan3A_964, %mul3A_1010 : i32
      %swap3A_1012 = arith.constant 2 : i32
      %swap3A_1013 = arith.index_cast %swap3A_1012 : i32 to index
      %swap3A_1014 = arith.index_cast %mul3A_1011 : i32 to index
      %swap3A_1015 = tpu.vector_load %arg10[%swap3A_1013, %swap3A_1014] {strides = array<i32>} : memref<8x512xf32, #tpu.memory_space<vmem>>, vector<1x16xf32>,
      %swap3A_1016 = vector.shape_cast %swap3A_1015 : vector<1x16xf32> to vector<16xf32>
      %swap3A_1017 = vector.shape_cast %mul3A_1009 : vector<16xf32> to vector<1x16xf32>
      tpu.vector_store %arg10[%swap3A_1013, %swap3A_1014], %swap3A_1017 {strides = array<i32>} : memref<8x512xf32, #tpu.memory_space<vmem>>, vector<1x16xf32>,
      %mul3A_1018 = arith.constant 16 : i32
      %mul3A_1019 = arith.muli %scan3A_964, %mul3A_1018 : i32
      %get3A_1020 = arith.constant 3 : i32
      %get3A_1021 = arith.index_cast %get3A_1020 : i32 to index
      %get3A_1022 = arith.index_cast %mul3A_1019 : i32 to index
      %get3A_1023 = tpu.vector_load %arg10[%get3A_1021, %get3A_1022] {strides = array<i32>} : memref<8x512xf32, #tpu.memory_space<vmem>>, vector<1x16xf32>,
      %get3A_1024 = vector.shape_cast %get3A_1023 : vector<1x16xf32> to vector<16xf32>
      %mul3A_1025 = arith.mulf %get3A_1024, %get3A_969 : vector<16xf32>
      %mul3A_1026 = arith.constant 16 : i32
      %mul3A_1027 = arith.muli %scan3A_964, %mul3A_1026 : i32
      %swap3A_1028 = arith.constant 3 : i32
      %swap3A_1029 = arith.index_cast %swap3A_1028 : i32 to index
      %swap3A_1030 = arith.index_cast %mul3A_1027 : i32 to index
      %swap3A_1031 = tpu.vector_load %arg10[%swap3A_1029, %swap3A_1030] {strides = array<i32>} : memref<8x512xf32, #tpu.memory_space<vmem>>, vector<1x16xf32>,
      %swap3A_1032 = vector.shape_cast %swap3A_1031 : vector<1x16xf32> to vector<16xf32>
      %swap3A_1033 = vector.shape_cast %mul3A_1025 : vector<16xf32> to vector<1x16xf32>
      tpu.vector_store %arg10[%swap3A_1029, %swap3A_1030], %swap3A_1033 {strides = array<i32>} : memref<8x512xf32, #tpu.memory_space<vmem>>, vector<1x16xf32>,
      %mul3A_1034 = arith.constant 16 : i32
      %mul3A_1035 = arith.muli %scan3A_964, %mul3A_1034 : i32
      %get3A_1036 = arith.constant 4 : i32
      %get3A_1037 = arith.index_cast %get3A_1036 : i32 to index
      %get3A_1038 = arith.index_cast %mul3A_1035 : i32 to index
      %get3A_1039 = tpu.vector_load %arg10[%get3A_1037, %get3A_1038] {strides = array<i32>} : memref<8x512xf32, #tpu.memory_space<vmem>>, vector<1x16xf32>,
      %get3A_1040 = vector.shape_cast %get3A_1039 : vector<1x16xf32> to vector<16xf32>
      %mul3A_1041 = arith.mulf %get3A_1040, %get3A_969 : vector<16xf32>
      %mul3A_1042 = arith.constant 16 : i32
      %mul3A_1043 = arith.muli %scan3A_964, %mul3A_1042 : i32
      %swap3A_1044 = arith.constant 4 : i32
      %swap3A_1045 = arith.index_cast %swap3A_1044 : i32 to index
      %swap3A_1046 = arith.index_cast %mul3A_1043 : i32 to index
      %swap3A_1047 = tpu.vector_load %arg10[%swap3A_1045, %swap3A_1046] {strides = array<i32>} : memref<8x512xf32, #tpu.memory_space<vmem>>, vector<1x16xf32>,
      %swap3A_1048 = vector.shape_cast %swap3A_1047 : vector<1x16xf32> to vector<16xf32>
      %swap3A_1049 = vector.shape_cast %mul3A_1041 : vector<16xf32> to vector<1x16xf32>
      tpu.vector_store %arg10[%swap3A_1045, %swap3A_1046], %swap3A_1049 {strides = array<i32>} : memref<8x512xf32, #tpu.memory_space<vmem>>, vector<1x16xf32>,
      %mul3A_1050 = arith.constant 16 : i32
      %mul3A_1051 = arith.muli %scan3A_964, %mul3A_1050 : i32
      %get3A_1052 = arith.constant 5 : i32
      %get3A_1053 = arith.index_cast %get3A_1052 : i32 to index
      %get3A_1054 = arith.index_cast %mul3A_1051 : i32 to index
      %get3A_1055 = tpu.vector_load %arg10[%get3A_1053, %get3A_1054] {strides = array<i32>} : memref<8x512xf32, #tpu.memory_space<vmem>>, vector<1x16xf32>,
      %get3A_1056 = vector.shape_cast %get3A_1055 : vector<1x16xf32> to vector<16xf32>
      %mul3A_1057 = arith.mulf %get3A_1056, %get3A_969 : vector<16xf32>
      %mul3A_1058 = arith.constant 16 : i32
      %mul3A_1059 = arith.muli %scan3A_964, %mul3A_1058 : i32
      %swap3A_1060 = arith.constant 5 : i32
      %swap3A_1061 = arith.index_cast %swap3A_1060 : i32 to index
      %swap3A_1062 = arith.index_cast %mul3A_1059 : i32 to index
      %swap3A_1063 = tpu.vector_load %arg10[%swap3A_1061, %swap3A_1062] {strides = array<i32>} : memref<8x512xf32, #tpu.memory_space<vmem>>, vector<1x16xf32>,
      %swap3A_1064 = vector.shape_cast %swap3A_1063 : vector<1x16xf32> to vector<16xf32>
      %swap3A_1065 = vector.shape_cast %mul3A_1057 : vector<16xf32> to vector<1x16xf32>
      tpu.vector_store %arg10[%swap3A_1061, %swap3A_1062], %swap3A_1065 {strides = array<i32>} : memref<8x512xf32, #tpu.memory_space<vmem>>, vector<1x16xf32>,
      %mul3A_1066 = arith.constant 16 : i32
      %mul3A_1067 = arith.muli %scan3A_964, %mul3A_1066 : i32
      %get3A_1068 = arith.constant 6 : i32
      %get3A_1069 = arith.index_cast %get3A_1068 : i32 to index
      %get3A_1070 = arith.index_cast %mul3A_1067 : i32 to index
      %get3A_1071 = tpu.vector_load %arg10[%get3A_1069, %get3A_1070] {strides = array<i32>} : memref<8x512xf32, #tpu.memory_space<vmem>>, vector<1x16xf32>,
      %get3A_1072 = vector.shape_cast %get3A_1071 : vector<1x16xf32> to vector<16xf32>
      %mul3A_1073 = arith.mulf %get3A_1072, %get3A_969 : vector<16xf32>
      %mul3A_1074 = arith.constant 16 : i32
      %mul3A_1075 = arith.muli %scan3A_964, %mul3A_1074 : i32
      %swap3A_1076 = arith.constant 6 : i32
      %swap3A_1077 = arith.index_cast %swap3A_1076 : i32 to index
      %swap3A_1078 = arith.index_cast %mul3A_1075 : i32 to index
      %swap3A_1079 = tpu.vector_load %arg10[%swap3A_1077, %swap3A_1078] {strides = array<i32>} : memref<8x512xf32, #tpu.memory_space<vmem>>, vector<1x16xf32>,
      %swap3A_1080 = vector.shape_cast %swap3A_1079 : vector<1x16xf32> to vector<16xf32>
      %swap3A_1081 = vector.shape_cast %mul3A_1073 : vector<16xf32> to vector<1x16xf32>
      tpu.vector_store %arg10[%swap3A_1077, %swap3A_1078], %swap3A_1081 {strides = array<i32>} : memref<8x512xf32, #tpu.memory_space<vmem>>, vector<1x16xf32>,
      %mul3A_1082 = arith.constant 16 : i32
      %mul3A_1083 = arith.muli %scan3A_964, %mul3A_1082 : i32
      %get3A_1084 = arith.constant 7 : i32
      %get3A_1085 = arith.index_cast %get3A_1084 : i32 to index
      %get3A_1086 = arith.index_cast %mul3A_1083 : i32 to index
      %get3A_1087 = tpu.vector_load %arg10[%get3A_1085, %get3A_1086] {strides = array<i32>} : memref<8x512xf32, #tpu.memory_space<vmem>>, vector<1x16xf32>,
      %get3A_1088 = vector.shape_cast %get3A_1087 : vector<1x16xf32> to vector<16xf32>
      %mul3A_1089 = arith.mulf %get3A_1088, %get3A_969 : vector<16xf32>
      %mul3A_1090 = arith.constant 16 : i32
      %mul3A_1091 = arith.muli %scan3A_964, %mul3A_1090 : i32
      %swap3A_1092 = arith.constant 7 : i32
      %swap3A_1093 = arith.index_cast %swap3A_1092 : i32 to index
      %swap3A_1094 = arith.index_cast %mul3A_1091 : i32 to index
      %swap3A_1095 = tpu.vector_load %arg10[%swap3A_1093, %swap3A_1094] {strides = array<i32>} : memref<8x512xf32, #tpu.memory_space<vmem>>, vector<1x16xf32>,
      %swap3A_1096 = vector.shape_cast %swap3A_1095 : vector<1x16xf32> to vector<16xf32>
      %swap3A_1097 = vector.shape_cast %mul3A_1089 : vector<16xf32> to vector<1x16xf32>
      tpu.vector_store %arg10[%swap3A_1093, %swap3A_1094], %swap3A_1097 {strides = array<i32>} : memref<8x512xf32, #tpu.memory_space<vmem>>, vector<1x16xf32>,
    }
    %scan3A_939 = arith.constant 32 : i32
    %mul3A_940 = arith.constant 8 : i32
    %mul3A_941 = arith.muli %rem3A_18, %mul3A_940 : i32
    %dma_start3A_942 = arith.constant 0 : i32
    %dma_start3A_943 = tpu.memref_slice %arg5[%select_n3A, %mul3A_941, %dma_start3A_942] : memref<4x64x512xf32, #tpu.memory_space<hbm>> -> memref<1x8x512xf32, #tpu.memory_space<hbm>>
    %dma_start3A_944 = tpu.memref_squeeze %dma_start3A_943 : memref<1x8x512xf32, #tpu.memory_space<hbm>> -> memref<8x512xf32, #tpu.memory_space<hbm>>
    %dma_start3A_945 = arith.constant 0 : i32
    %dma_start3A_946 = tpu.memref_slice %arg5[%select_n3A, %mul3A_941, %dma_start3A_945] : memref<4x64x512xf32, #tpu.memory_space<hbm>> -> memref<1x8x512xf32, #tpu.memory_space<hbm>>
    %dma_start3A_947 = tpu.memref_squeeze %dma_start3A_946 : memref<1x8x512xf32, #tpu.memory_space<hbm>> -> memref<8x512xf32, #tpu.memory_space<hbm>>
    tpu.enqueue_dma source(%arg10 : memref<8x512xf32, #tpu.memory_space<vmem>>) target(%dma_start3A_947 : memref<8x512xf32, #tpu.memory_space<hbm>>) target_semaphore(%arg22 : memref<!tpu.dma_semaphore, #tpu.memory_space<semaphore_mem>>)
    %mul3A_948 = arith.constant 64 : i32
    %mul3A_949 = arith.muli %rem3A_18, %mul3A_948 : i32
    %dma_start3A_950 = tpu.memref_slice %arg6[%select_n3A, %mul3A_949] : memref<4x512xf32, #tpu.memory_space<hbm>> -> memref<1x64xf32, #tpu.memory_space<hbm>>
    %dma_start3A_951 = tpu.memref_squeeze %dma_start3A_950 : memref<1x64xf32, #tpu.memory_space<hbm>> -> memref<64xf32, #tpu.memory_space<hbm>>
    %dma_start3A_952 = tpu.memref_slice %arg6[%select_n3A, %mul3A_949] : memref<4x512xf32, #tpu.memory_space<hbm>> -> memref<1x64xf32, #tpu.memory_space<hbm>>
    %dma_start3A_953 = tpu.memref_squeeze %dma_start3A_952 : memref<1x64xf32, #tpu.memory_space<hbm>> -> memref<64xf32, #tpu.memory_space<hbm>>
    tpu.enqueue_dma source(%arg11 : memref<64xf32, #tpu.memory_space<vmem>>) target(%dma_start3A_953 : memref<64xf32, #tpu.memory_space<hbm>>) target_semaphore(%arg22 : memref<!tpu.dma_semaphore, #tpu.memory_space<semaphore_mem>>)
    %dma_wait3A_954 = arith.constant 0 : i32
    %dma_wait3A_955 = tpu.memref_slice %arg5[%select_n3A, %mul3A_941, %dma_wait3A_954] : memref<4x64x512xf32, #tpu.memory_space<hbm>> -> memref<1x8x512xf32, #tpu.memory_space<hbm>>
    %dma_wait3A_956 = tpu.memref_squeeze %dma_wait3A_955 : memref<1x8x512xf32, #tpu.memory_space<hbm>> -> memref<8x512xf32, #tpu.memory_space<hbm>>
    %dma_wait3A_957 = arith.constant 0 : i32
    %dma_wait3A_958 = tpu.memref_slice %arg5[%select_n3A, %mul3A_941, %dma_wait3A_957] : memref<4x64x512xf32, #tpu.memory_space<hbm>> -> memref<1x8x512xf32, #tpu.memory_space<hbm>>
    %dma_wait3A_959 = tpu.memref_squeeze %dma_wait3A_958 : memref<1x8x512xf32, #tpu.memory_space<hbm>> -> memref<8x512xf32, #tpu.memory_space<hbm>>
    tpu.wait_dma2 semaphore(%arg22 : memref<!tpu.dma_semaphore, #tpu.memory_space<semaphore_mem>>) src(%arg10 : memref<8x512xf32, #tpu.memory_space<vmem>>) dst(%dma_wait3A_959 : memref<8x512xf32, #tpu.memory_space<hbm>>)
    %dma_wait3A_960 = tpu.memref_slice %arg6[%select_n3A, %mul3A_949] : memref<4x512xf32, #tpu.memory_space<hbm>> -> memref<1x64xf32, #tpu.memory_space<hbm>>
    %dma_wait3A_961 = tpu.memref_squeeze %dma_wait3A_960 : memref<1x64xf32, #tpu.memory_space<hbm>> -> memref<64xf32, #tpu.memory_space<hbm>>
    %dma_wait3A_962 = tpu.memref_slice %arg6[%select_n3A, %mul3A_949] : memref<4x512xf32, #tpu.memory_space<hbm>> -> memref<1x64xf32, #tpu.memory_space<hbm>>
    %dma_wait3A_963 = tpu.memref_squeeze %dma_wait3A_962 : memref<1x64xf32, #tpu.memory_space<hbm>> -> memref<64xf32, #tpu.memory_space<hbm>>
    tpu.wait_dma2 semaphore(%arg22 : memref<!tpu.dma_semaphore, #tpu.memory_space<semaphore_mem>>) src(%arg11 : memref<64xf32, #tpu.memory_space<vmem>>) dst(%dma_wait3A_963 : memref<64xf32, #tpu.memory_space<hbm>>)
    return
  }
}

</mosaic_0001>

<sc_bundles>
// kernel: kernel.3.cloned.1.call-start
scs
__scs_entry_jumppad:
0x0: {  	(pc) =	sbr.rel $0x88, $3  }
0x1: {  	(tag) =	ssettag $0x0;
	lr =	simm.s32 $0x1  }
0x2: {  	[smem:$0x3F9E] =	sst lr;
	_ =	strace $0xD0000000  }
0x3: {  	_ = 	snop  }
0x4: {  	_ = 	snop  }
0x5: {  	_ = 	snop  }
0x6: {  	_ = 	snop  }
0x7: {  	_ = 	snop  }
__scs_overlays_trampoline_lowered:
0x8: {  	[smem:$0x3FAD] =	sst s0  }
0x9: {  	[smem:$0x3FAE] =	sst s1  }
0xa: {  	[smem:$0x3FAF] =	sst s2  }
0xb: {  	[smem:$0x3FB0] =	sst s3  }
0xc: {  	[smem:$0x3FB1] =	sst s4  }
0xd: {  	[smem:$0x3FB2] =	sst s5  }
0xe: {  	[smem:$0x3FB3] =	sst s6  }
0xf: {  	[smem:$0x3FB4] =	sst s7  }
0x10: {  	[smem:$0x3FB5] =	sst s8  }
0x11: {  	[smem:$0x3FB6] =	sst s9;
	s0 =	simm.s32 @!p0 $0x0  }
0x12: {  	s1 =	sld [smem:$0x3F9C];
	s0 =	simm.s32 @p0 $0x1  }
0x13: {  	[smem:$0x3FB7] =	sst s0;
	s0 =	simm.s32 @!p1 $0x0  }
0x14: {  	s2 =	sld [smem:$0x3F9B];
	s0 =	simm.s32 @p1 $0x1  }
0x15: {  	[smem:$0x3FB8] =	sst s0;
	s0 =	simm.s32 @!p2 $0x0  }
0x16: {  	s3 =	sld [smem:$0x3FDB];
	s0 =	simm.s32 @p2 $0x1  }
0x17: {  	s4 =	simm.s32 $0x1BF5;
	[smem:$0x3FBA] =	sst s0  }
0x18: {  	s0 =	sld [smem:$0x3F9D];
	_ =	swait.ge [sflag:s4], $0x0  }
0x19: {  	s7 =	sld [smem:$0x3F9E]  }
0x1a: {  	s8 =	sadd.s32 $0xFFFFE003, lr  }
0x1b: {  	s9 =	sadd.s32 $0xFFFFFEF7, lr;
	s5 =	simm.s32 $0xFFFFFFFF;
	p2 =	slt.u32 s8, $0xFFFFF086  }
0x1c: {  	p1 =	slt.u32 s9, $0xF7A;
	s5 =	simm.s32 @!p2 $0x0  }
0x1d: {  	s5 =	simm.s32 @p1 $0x1;
	p0 =	seq.s32 s7, s2  }
0x1e: {  	s7 =	smul.u32 @!p0 $0xF7A, s2;
	p2 =	seq.s32 @!p0 s5, $0x0  }
0x1f: {  	s9 =	smul.u32 $0xF7A, s1;
	s8 =	simm.s32 @!p0 $0x1BF5;
	p2 =	por !p2, p0  }
0x20: {  	[sflag:s8] =	ssyncset.s32 @!p0 $0xFFFFF086;
	s6 =	sadd.s32 @!p0 s3, s7;
	s7 =	simm.s32 @!p0 $0x108  }
0x21: {  	s3 =	sadd.s32 s3, s9;
	s6 =	sadd.s32 @!p0 $0x88, s6;
	s7 =	simm.s32 @p2 $0x1082  }
0x22: {  	[simem:s7], [sflag:s8] =	dma.local @!p0 [hbm:s6], $0xF7A  }
0x23: {  	s9 =	sor.u32 $0xD0000000, s2;
	s6 =	simm.s32 $0x108;
	_ =	swait.ge @!p0 [sflag:s8], $0x0  }
0x24: {  	s3 =	sadd.s32 $0x88, s3;
	s6 =	simm.s32 @!p1 $0x1082;
	[sflag:s4] =	ssyncset.s32 $0xFFFFF086  }
0x25: {  	[simem:s6], [sflag:s4] =	dma.local [hbm:s3], $0xF7A  }
0x26: {  	[smem:$0x3F9E] =	sst s1;
	(tag) =	ssettag s2;
	_ =	strace s9  }
0x27: {  	s1 =	sld [smem:$0x3FAE]  }
0x28: {  	s2 =	sld [smem:$0x3FAF]  }
0x29: {  	s4 =	sld [smem:$0x3FB1]  }
0x2a: {  	p0 =	seq.s32 s5, $0x0;
	s5 =	sld [smem:$0x3FB2]  }
0x2b: {  	s6 =	sld [smem:$0x3FB3]  }
0x2c: {  	s7 =	sld [smem:$0x3FB4]  }
0x2d: {  	s3 =	simm.s32 $0x108;
	s8 =	sld [smem:$0x3FB5]  }
0x2e: {  	s3 =	simm.s32 @!p0 $0x1082;
	s9 =	sld [smem:$0x3FB6]  }
0x2f: {  	lr =	sadd.s32 s0, s3;
	s0 =	sld [smem:$0x3FAD]  }
0x30: {  	s3 =	sld [smem:$0x3FB0]  }
0x31: {  	[smem:$0x3FB9] =	sst s10  }
0x32: {  	s10 =	sld [smem:$0x3FB7];
	_ =	sdelay $0x3  }
0x33: {  	p0 =	seq.s32 s10, $0x1;
	s10 =	sld [smem:$0x3FB9];
	_ =	sdelay $0x3  }
0x34: {  	[smem:$0x3FB9] =	sst s10  }
0x35: {  	s10 =	sld [smem:$0x3FB8];
	_ =	sdelay $0x3  }
0x36: {  	p1 =	seq.s32 s10, $0x1;
	s10 =	sld [smem:$0x3FB9];
	_ =	sdelay $0x3  }
0x37: {  	[smem:$0x3FB9] =	sst s10  }
0x38: {  	s10 =	sld [smem:$0x3FBA]  }
0x39: {  	_ = 	snop;
	(pc) =	sbr.ind lr, $3  }
0x3a: {  	_ = 	snop  }
0x3b: {  	_ = 	snop  }
0x3c: {  	p2 =	seq.s32 s10, $0x1;
	s10 =	sld [smem:$0x3FB9]  }
0x3d: {  	_ =	shalt  }
0x3e: {  	_ =	shalt  }
0x3f: {  	_ =	shalt  }
0x40: {  	_ =	shalt  }
0x41: {  	_ =	shalt  }
0x42: {  	_ =	shalt  }
0x43: {  	_ =	shalt  }
0x44: {  	_ =	shalt  }
0x45: {  	_ =	shalt  }
0x46: {  	_ =	shalt  }
0x47: {  	_ =	shalt  }
0x48: {  	_ =	shalt  }
0x49: {  	_ =	shalt  }
0x4a: {  	_ =	shalt  }
0x4b: {  	_ =	shalt  }
0x4c: {  	_ =	shalt  }
0x4d: {  	_ =	shalt  }
0x4e: {  	_ =	shalt  }
0x4f: {  	_ =	shalt  }
0x50: {  	_ =	shalt  }
0x51: {  	_ =	shalt  }
0x52: {  	_ =	shalt  }
0x53: {  	_ =	shalt  }
0x54: {  	_ =	shalt  }
0x55: {  	_ =	shalt  }
0x56: {  	_ =	shalt  }
0x57: {  	_ =	shalt  }
0x58: {  	_ =	shalt  }
0x59: {  	_ =	shalt  }
0x5a: {  	_ =	shalt  }
0x5b: {  	_ =	shalt  }
0x5c: {  	_ =	shalt  }
0x5d: {  	_ =	shalt  }
0x5e: {  	_ =	shalt  }
0x5f: {  	_ =	shalt  }
0x60: {  	_ =	shalt  }
0x61: {  	_ =	shalt  }
0x62: {  	_ =	shalt  }
0x63: {  	_ =	shalt  }
0x64: {  	_ =	shalt  }
0x65: {  	_ =	shalt  }
0x66: {  	_ =	shalt  }
0x67: {  	_ =	shalt  }
0x68: {  	_ =	shalt  }
0x69: {  	_ =	shalt  }
0x6a: {  	_ =	shalt  }
0x6b: {  	_ =	shalt  }
0x6c: {  	_ =	shalt  }
0x6d: {  	_ =	shalt  }
0x6e: {  	_ =	shalt  }
0x6f: {  	_ =	shalt  }
0x70: {  	_ =	shalt  }
0x71: {  	_ =	shalt  }
0x72: {  	_ =	shalt  }
0x73: {  	_ =	shalt  }
0x74: {  	_ =	shalt  }
0x75: {  	_ =	shalt  }
0x76: {  	_ =	shalt  }
0x77: {  	_ =	shalt  }
0x78: {  	_ =	shalt  }
0x79: {  	_ =	shalt  }
0x7a: {  	_ =	shalt  }
0x7b: {  	_ =	shalt  }
0x7c: {  	_ =	shalt  }
0x7d: {  	_ =	shalt  }
0x7e: {  	_ =	shalt  }
0x7f: {  	_ =	shalt  }
0x80: {  	_ =	shalt  }
0x81: {  	_ =	shalt  }
0x82: {  	_ =	shalt  }
0x83: {  	_ =	shalt  }
0x84: {  	_ =	shalt  }
0x85: {  	_ =	shalt  }
0x86: {  	_ =	shalt  }
0x87: {  	_ =	shalt  }
.Lfunc_end0:
.L_simem_size_0:
called_computation_lowered:
.L_overlay_start_0:
0x88: {  	s2 =	sld [smem:$0x3FD9]  }
0x89: {  	s3 =	sld [smem:$0x3FFE];
	_ =	sdelay $0x1  }
0x8a: {  	s1 =	srdreg.scid  }
0x8b: {  	s0 =	sand.u32 $0x1, s1  }
0x8c: {  	s14 =	sshll.u32 s0, $0xA;
	s2 =	sadd.s32 s3, s2  }
0x8d: {  	s2 =	sadd.s32 s2, s14  }
0x8e: {  	[smem:$0x3FC5] =	sst s2  }
0x8f: {  	_ = 	snop  }
0x90: {  	s2 =	sld [smem:$0x3FD0];
	_ =	sdelay $0x2  }
0x91: {  	s4 =	simm.s32 $0xA;
	s5 =	simm.s32 $0x10;
	s15 =	sld [smem:$0x3FC7]  }
0x92: {  	[smem:s5], [sflag:s4] =	dma.local [hbm:s2], $0x1  }
0x93: {  	_ =	swait.eq [sflag:s4], $0x1  }
0x94: {  	[sflag:s4] =	ssyncset.done $0x0  }
0x95: {  	s16 =	sld [smem:$0x10];
	[sflag:s4] =	ssyncadd.s32 $0xFFFFFFFF  }
0x96: {  	s17 =	sld [smem:$0x11];
	(tm) =	ssettm $0x1  }
0x97: {  	s18 =	sld [smem:$0x3FFB];
	_ =	sdelay $0x3  }
0x98: {  	_ =	strace s18  }
0x99: {  	s5 =	sld [smem:$0x3FFC];
	_ =	sdelay $0x3  }
0x9a: {  	_ =	strace s5  }
0x9b: {  	s5 =	sld [smem:$0x3FFD];
	_ =	sdelay $0x3  }
0x9c: {  	_ =	strace s5  }
0x9d: {  	_ =	strace $0x8FFFFFFF  }
0x9e: {  	s19 =	sld [smem:$0x3FDB];
	_ =	sdelay $0x1  }
0x9f: {  	s6 =	simm.s32 $_scs_section_size  }
0xa0: {  	s7 =	simm.s32 $_size__tile_overlayer_lowered;
	s8 =	simm.s32 $_tile_overlayer_lowered  }
0xa1: {  	s22 =	simm.s32 $0x1BFF;
	s21 =	sshll.u32 s8, $0x1;
	s5 =	sadd.s32 s6, s19  }
0xa2: {  	s9 =	simm.s32 $0x0;
	s20 =	sshll.u32 s7, $0x1;
	s7 =	sadd.s32 s21, s5  }
0xa3: {  	[timem:s9], [sflag:s22] =	dma.local [hbm:s7], s20  }
0xa4: {  	_ =	swait.ge [sflag:s22], s20  }
0xa5: {  	s6 =	ssub.s32 $0x0, s20;
	[sflag:s22] =	ssyncset.done $0x0  }
0xa6: {  	[sflag:s22] =	ssyncadd.s32 s6;
	_ =	sdelay $0x1  }
0xa7: {  	s23 =	simm.s32 $0x1B8B  }
0xa8: {  	_ =	swait.ge [sflag:s23], $0x1  }
0xa9: {  	[sflag:s23] =	ssyncset.done $0x0  }
0xaa: {  	s25 =	simm.s32 $0x1B8E;
	s24 =	sld [smem:$0x3FFE];
	[sflag:s23] =	ssyncadd.s32 $0xFFFFFFFF  }
0xab: {  	s26 =	simm.s32 $execute0_lowered;
	[smem:$0x3FD2] =	sst s25  }
0xac: {  	s7 =	sshll.u32 s26, $0x1;
	_ =	strace $0x80000046;
	[dreg:$0x1] =	wrdreg $0xFFFFFFFF  }
0xad: {  	s28 =	simm.s32 $_size_execute0_lowered;
	s5 =	sadd.s32 s5, s7;
	[dreg:$0x0] =	wrdreg $0x0  }
0xae: {  	s7 =	sshll.u32 s28, $0x1;
	[dreg:$0x2] =	wrdreg s5  }
0xaf: {  	[dreg:$0x3] =	wrdreg s7  }
0xb0: {  	[dreg:$0x4] =	wrdreg $0xC0  }
0xb1: {  	_ =	task [dreg:s9], $0x5FFFF  }
0xb2: {  	[dreg:$0x1] =	wrdreg $0xFFFFFFFF  }
0xb3: {  	[dreg:$0x0] =	wrdreg $0x60  }
0xb4: {  	[dreg:$0x2] =	wrdreg s24  }
0xb5: {  	[dreg:$0x3] =	wrdreg s15  }
0xb6: {  	[dreg:$0x4] =	wrdreg s16  }
0xb7: {  	[dreg:$0x5] =	wrdreg s17  }
0xb8: {  	[dreg:$0x6] =	wrdreg $0x3F000  }
0xb9: {  	[dreg:$0x7] =	wrdreg $0x3F500  }
0xba: {  	[dreg:$0x8] =	wrdreg $0x41500  }
0xbb: {  	[dreg:$0x9] =	wrdreg $0x9  }
0xbc: {  	_ =	task.clear_ibuf [dreg:s9], $0xAFFFF;
	_ =	strace $0x90000046  }
0xbd: {  	s29 =	simm.s32 $0x9;
	_ =	strace $0x80000048  }
0xbe: {  	_ =	swait.ge [sflag:s29], $0x1  }
0xbf: {  	[sflag:s29] =	ssyncadd.s32 $0xFFFFFFFF  }
0xc0: {  	_ =	strace $0x90000048  }
0xc1: {  	_ =	sfence  }
0xc2: {  	s30 =	sld [smem:$0x0];
	_ =	sdelay $0x2  }
0xc3: {  	s31 =	sshll.u32 s1, $0xD;
	s1 =	sshrl.u32 s1, $0x2  }
0xc4: {  	s3 =	sand.u32 $0x4000, s31;
	s1 =	sadd.s32 s1, s30  }
0xc5: {  	s0 =	sor.u32 s3, s0;
	s1 =	sshll.u32 s1, $0x11  }
0xc6: {  	s0 =	sor.u32 s1, s0  }
0xc7: {  	s0 =	sadd.s32 $0x8F2B, s0  }
0xc8: {  	[sflag:s0] =	ssyncadd.remote.s32 $0x1  }
0xc9: {  	_ =	sfence.sel $0xFFFF  }
0xca: {  	[dreg:$0x0] =	wrdreg $0xFFFFFFFF;
	(pc) =	sbr.abs _section_cstart, $3  }
0xcb: {  	[dreg:$0x1] =	wrdreg $0xFFFFFFFF  }
0xcc: {  	_ =	task.clear_ibuf [dreg:s9], $0x2FFFF;
	_ =	strace $0x9FFFFFFF  }
0xcd: {  	(tm) =	ssettm $0x7FFFFFFF  }
tec
execute0_lowered:
.L_overlay_start_1:
0x0: {  	(tag) =	ssettag $0x1  }
0x1: {  	s5 =	rddreg [dreg:$0x0]  }
0x2: {  	s6 =	rddreg [dreg:$0x1]  }
0x3: {  	s1 =	rddreg [dreg:$0x3]  }
0x4: {  	s9 =	rddreg [dreg:$0x4]  }
0x5: {  	s0 =	srdreg.scid;
	s12 =	rddreg [dreg:$0x5]  }
0x6: {  	s14 =	stileid.u32;
	s3 =	simm.s32 $0x1;
	s16 =	rddreg [dreg:$0x6]  }
0x7: {  	s29 =	simm.s32 $0x3;
	s31 =	simm.s32 $0x2;
	s4 =	sand.u32 $0x1, s0  }
0x8: {  	s11 =	sand.u32 $0x7, s14;
	s13 =	smul.u32 $0x140, s14;
	s17 =	sshrl.u32 s14, $0x3  }
0x9: {  	s23 =	sshll.u32 s14, $0x8;
	s0 =	sshll.u32 s4, $0x4;
	p1 =	sne.s32 s11, $0x0  }
0xa: {  	s8 =	smul.u32 $0x1200, s11;
	s4 =	ssub.s32 $0x2, s4;
	s2 =	sor.u32 s14, s0  }
0xb: {  	s19 =	sshll.u32 s11, $0xC;
	s15 =	sshll.u32 s11, $0x9;
	p0 =	seq.s32 s2, $0x0  }
0xc: {  	s20 =	smul.u32 $0xA00, s17;
	s22 =	sshll.u32 s17, $0xC;
	p0 =	por !p1, !p0  }
0xd: {  	s17 =	sshll.u32 s17, $0x9;
	s0 =	rddreg [dreg:$0x2];
	p0 =	por !p0, !p0  }
0xe: {  	s30 =	sshrl.u32 s4, $0x1;
	s2 =	sshrl.u32 s2, $0x3;
	s3 =	simm.s32 @!p0 $0x0  }
0xf: {  	s6 =	sadd.s32 s6, s15;
	s15 =	sshrl.u32 s23, $0x2;
	s18 =	ssub.s32 s2, s3  }
0x10: {  	s4 =	ssub.s32 s4, s30;
	s21 =	sshrl.u32 s20, $0x2;
	s7 =	smul.u32 $0x9000, s18  }
0x11: {  	s20 =	sshll.u32 s11, $0x6;
	s15 =	sadd.s32 s15, s16;
	s16 =	sadd.s32 s17, s16  }
0x12: {  	s2 =	simm.s32 $0x0;
	s10 =	smul.u32 $0x240, s18;
	s7 =	sadd.s32 s8, s7  }
0x13: {  	s3 =	simm.s32 $0x1;
	[smem:$0x7FF] =	sst s2;
	s7 =	sshrl.u32 s7, $0x3  }
0x14: {  	s24 =	sshll.u32 s18, $0x9;
	s28 =	sshrl.u32 s10, $0x3;
	s7 =	sadd.s32 s7, s5  }
0x15: {  	s10 =	smul.u32 $0x120, s11;
	s5 =	sadd.s32 s28, s5;
	s7 =	sadd.s32 $0x600, s7  }
0x16: {  	v0 =	vimm.s32 $0xFEDCBA98;
	_ =	strace $0x80000047;
	s5 =	sadd.s32 $0x4E00, s5;
	[dreg:$0x8] =	wrdreg s7  }
0x17: {  	v1 =	vimm.s32 $0x76543210;
	v2 =	vimm.s32 $0xBA98FEDC;
	v3 =	vimm.s32 $0x32107654;
	[dreg:$0x9] =	wrdreg s5;
	s7 =	sshrl.u32 s10, $0x2;
	s5 =	sshrl.u32 s13, $0x2  }
0x18: {  	v4 =	vimm.s32 $0xDCFE98BA;
	v5 =	vimm.s32 $0x54761032;
	s10 =	sshll.u32 s11, $0x3;
	s13 =	sshll.u32 s14, $0x9;
	s25 =	sor.u32 $0x1200, s7  }
0x19: {  	v6 =	vimm.s32 $0xEFCDAB89;
	v7 =	vimm.s32 $0x67452301;
	v0 =	vunpack.c.l.s4.s8 v0;
	s8 =	sadd.s32 s5, s9;
	s9 =	sadd.s32 s21, s9;
	s5 =	sadd.s32 s22, s12  }
0x1a: {  	v1 =	vunpack.c.l.s4.s8 v1;
	v2 =	vunpack.c.l.s4.s8 v2;
	v3 =	vunpack.c.l.s4.s8 v3;
	s11 =	sadd.s32 s13, s12;
	s21 =	sshll.u32 s18, $0x7;
	s18 =	sshll.u32 s18, $0xF  }
0x1b: {  	v4 =	vunpack.c.l.s4.s8 v4;
	v5 =	vunpack.c.l.s4.s8 v5;
	v0 =	vunpack.c.0.s8.s32 v0;
	s12 =	sadd.s32 s20, s5;
	s5 =	sor.u32 s23, s20;
	s20 =	sand.u32 $0xFFFFF800, s24  }
0x1c: {  	v6 =	vunpack.c.l.s4.s8 v6;
	v7 =	vunpack.c.l.s4.s8 v7;
	v1 =	vunpack.c.0.s8.s32 v1;
	s26 =	sand.u32 $0x180, s21;
	s28 =	sor.u32 s19, s18;
	s24 =	smax.u32 s4, $0x1  }
0x1d: {  	v2 =	vunpack.c.0.s8.s32 v2;
	v3 =	vunpack.c.0.s8.s32 v3;
	v0 =	vand.u32 $0xF, v0;
	s13 =	sadd.s32 $0x200, s12;
	s14 =	sadd.s32 $0x400, s12;
	s5 =	sand.u32 $0x640, s5  }
0x1e: {  	v4 =	vunpack.c.0.s8.s32 v4;
	v0 =	vcombine.low v0, v1;
	v1 =	vmov s25;
	s17 =	sadd.s32 $0x600, s12;
	s18 =	sadd.s32 $0x800, s12;
	s5 =	sor.u32 s20, s5  }
0x1f: {  	v5 =	vunpack.c.0.s8.s32 v5;
	v6 =	vunpack.c.0.s8.s32 v6;
	v7 =	vunpack.c.0.s8.s32 v7;
	s19 =	sadd.s32 $0xA00, s12;
	s30 =	sshrl.u32 s28, $0x3;
	s5 =	sor.u32 s26, s5  }
0x20: {  	vm0 =	vmmov $0xff;
	v2 =	vcombine.low v3, v2;
	s21 =	sadd.s32 $0xC00, s12;
	s23 =	sadd.s32 $0xE00, s12;
	s5 =	sshrl.u32 s5, $0x3  }
0x21: {  	v3 =	vcombine.low v5, v4;
	v4 =	vcombine.low v7, v6;
	v5 =	vimm.s32 $0x0;
	s20 =	sadd.s32 s0, s30;
	s22 =	sadd.s32 s1, s5;
	s1 =	simm.s32 $0x0  }
.LBB2_1:
0x22: {  	s0 =	rddreg [dreg:$0x8]  }
0x23: {  	[tilespmem:s2], [sflag:$0x1] =	stream.linear.gather [hbm4b:s0+s2], $0x1200, $0x38;
	[tilespmem:$0x4190] =	vst v63  }
0x24: {  	s5 =	rddreg [dreg:$0x9];
	s4 =	simm.s32 $0x1200  }
0x25: {  	[tilespmem:s4], [sflag:$0x1] =	stream.linear.gather [hbm4b:s5+s2], $0x240, $0x38;
	[tilespmem:$0x4190] =	vst v63  }
0x26: {  	s25 =	simm.s32 $0x1480  }
0x27: {  	[tilespmem:s25], [sflag:$0x2] =	stream.linear.gather [hbm4b:s6+s2], $0x1000, $0x38;
	[tilespmem:$0x4190] =	vst v63  }
0x28: {  	_ =	swait.ge [sflag:s3], $0x1200  }
0x29: {  	[sflag:s3] =	ssyncset.done $0x0  }
0x2a: {  	[sflag:s3] =	ssyncadd.s32 $0xFFFFEE00  }
0x2b: {  	_ =	swait.ge [sflag:s3], $0x240  }
0x2c: {  	[sflag:s3] =	ssyncset.done $0x0  }
0x2d: {  	s26 =	simm.s32 $0x0;
	[sflag:s3] =	ssyncadd.s32 $0xFFFFFDC0  }
0x2e: {  	s28 =	simm.s32 $0x20;
	v6 =	vld.idx.msk [tilespmem:v1+s26+$0x0 ss:$0x1], $0xffff  }
0x2f: {  	v7 =	vld [tilespmem:s28+$0x10]  }
0x30: {  	v11 =	vld [tilespmem:s28+$0xFFFFFFE0]  }
0x31: {  	v13 =	vld [tilespmem:s28+$0xFFFFFFF0]  }
0x32: {  	s30 =	simm.s32 $0x1  }
0x33: {  	v10 =	vld.idx.msk [tilespmem:v1+s30+$0x0 ss:$0x1], $0xffff;
	v8 =	vperm.xlane v6, v5  }
0x34: {  	v12 =	vld [tilespmem:s28+$0x0]  }
0x35: {  	s0 =	simm.s32 $0x60;
	v6 =	vmul.f32 v7, v8  }
0x36: {  	v9 =	vimm.f32 $0.0e+00;
	v7 =	vld [tilespmem:s0+$0x10];
	v16 =	vmul.f32 v11, v8;
	v15 =	vmul.f32 v13, v8  }
0x37: {  	s4 =	simm.s32 $0x8;
	v14 =	vld [tilespmem:s0+$0xFFFFFFE0];
	v11 =	vimm.f32 $0.0e+00;
	v13 =	vimm.f32 $0.0e+00;
	v6 =	vadd.f32 v6, v9  }
.LBB2_2:
0x38: {  	s5 =	sshra.s32 s4, $0x2;
	p0 =	sne.s32 s4, $0x11C;
	s4 =	sadd.s32 $0x4, s4;
	v17 =	vld [tilespmem:s0+$0xFFFFFFF0];
	v9 =	vadd.f32 v16, v9  }
.Ltmp0:
0x39: {  	v11 =	vadd.f32 v15, v11;
	v15 =	vmul.f32 v12, v8;
	v8 =	vperm.xlane v10, v5;
	v10 =	vld.idx.msk [tilespmem:v1+s5+$0x0 ss:$0x1], $0xffff;
	(pc) =	sbr.rel @p0 .LBB2_2-.Ltmp0, $4  }
0x3a: {  	v12 =	vld [tilespmem:s0+$0x0]  }
0x3b: {  	s0 =	sadd.s32 $0x40, s0;
	v18 =	vmul.f32 v7, v8;
	v13 =	vadd.f32 v15, v13  }
0x3c: {  	v7 =	vld [tilespmem:s0+$0x10];
	v16 =	vmul.f32 v14, v8  }
0x3d: {  	v14 =	vld [tilespmem:s0+$0xFFFFFFE0];
	v15 =	vmul.f32 v17, v8;
	v6 =	vadd.f32 v18, v6  }
0x3e: {  	v17 =	vld [tilespmem:s7+$0x1200];
	_ =	sdelay $0x1  }
0x3f: {  	v19 =	vld [tilespmem:s7+$0x1210]  }
0x40: {  	v18 =	vld [tilespmem:s0+$0xFFFFFFF0]  }
0x41: {  	v21 =	vld [tilespmem:s7+$0x1220]  }
0x42: {  	v20 =	vld [tilespmem:s0+$0x0];
	v10 =	vperm.xlane v10, v5;
	v17 =	vadd.f32 $0.0e+00, v17  }
0x43: {  	v8 =	vmul.f32 v12, v8;
	v12 =	vld [tilespmem:s7+$0x1230]  }
0x44: {  	v9 =	vadd.f32 v16, v9;
	v7 =	vmul.f32 v7, v10;
	v16 =	vadd.f32 v19, v17;
	v17 =	vld [tilespmem:s7+$0x1240]  }
0x45: {  	v11 =	vadd.f32 v15, v11;
	v8 =	vadd.f32 v8, v13;
	v14 =	vmul.f32 v14, v10  }
0x46: {  	v13 =	vmul.f32 v18, v10;
	v6 =	vadd.f32 v7, v6;
	v15 =	vadd.f32 v21, v16  }
0x47: {  	v9 =	vadd.f32 v14, v9;
	v14 =	vmul.f32 v20, v10  }
0x48: {  	v10 =	vadd.f32 v13, v11;
	[tilespmem:$0x35B0] =	vst v6;
	v11 =	vadd.f32 v12, v15  }
0x49: {  	v8 =	vadd.f32 v14, v8;
	[tilespmem:$0x3580] =	vst v9;
	v7 =	vnsel vm0, $0x0, v17  }
0x4a: {  	[tilespmem:$0x3590] =	vst v10;
	v7 =	vadd.f32 v7, v11  }
0x4b: {  	[tilespmem:$0x35A0] =	vst v8  }
0x4c: {  	s25 =	simm.s32 $0x3580;
	[tilespmem:$0x35C0] =	vst v7  }
0x4d: {  	[spmem:s8] =	stream.linear.scatter [tilespmem:s25], [sflag:$0x3], $0x50, $0x38;
	[tilespmem:$0x4190] =	vst v63  }
0x4e: {  	_ =	swait.ge [sflag:s29], $0x50  }
0x4f: {  	[sflag:s29] =	ssyncset.done $0x0  }
0x50: {  	[sflag:s29] =	ssyncadd.s32 $0xFFFFFFB0  }
0x51: {  	s26 =	simm.s32 $0x3600;
	[bflag:$0x0] =	sbarrier.arrive $0xFFFF  }
0x52: {  	[tilespmem:s26], [sflag:$0x3] =	stream.linear.gather [spmem:s9], $0x280, $0x38;
	[tilespmem:$0x4190] =	vst v63  }
0x53: {  	_ =	swait.ge [sflag:s29], $0x280  }
0x54: {  	[sflag:s29] =	ssyncset.done $0x0  }
0x55: {  	[sflag:s29] =	ssyncadd.s32 $0xFFFFFD80  }
0x56: {  	v6 =	vld [tilespmem:$0x3600]  }
0x57: {  	v7 =	vld [tilespmem:$0x3650]  }
0x58: {  	v8 =	vld [tilespmem:$0x36A0]  }
0x59: {  	v9 =	vld [tilespmem:$0x36F0]  }
0x5a: {  	v10 =	vld [tilespmem:$0x3740]  }
0x5b: {  	v11 =	vld [tilespmem:$0x3790]  }
0x5c: {  	v12 =	vld [tilespmem:$0x37E0]  }
0x5d: {  	v13 =	vld [tilespmem:$0x3830]  }
0x5e: {  	v14 =	vld [tilespmem:$0x3610]  }
0x5f: {  	v15 =	vld [tilespmem:$0x3640]  }
0x60: {  	v16 =	vld [tilespmem:$0x3690]  }
0x61: {  	v17 =	vld [tilespmem:$0x3660]  }
0x62: {  	v18 =	vld [tilespmem:$0x36E0]  }
0x63: {  	v19 =	vld [tilespmem:$0x36B0]  }
0x64: {  	v58 =	vld [tilespmem:$0x3730]  }
0x65: {  	v59 =	vld [tilespmem:$0x3700];
	v15 =	vadd.f32 v16, v15  }
0x66: {  	v16 =	vld [tilespmem:$0x3780]  }
0x67: {  	v22 =	vld [tilespmem:$0x3750];
	v15 =	vadd.f32 v18, v15  }
0x68: {  	v18 =	vld [tilespmem:$0x37D0]  }
0x69: {  	v23 =	vld [tilespmem:$0x37A0];
	v15 =	vadd.f32 v58, v15  }
0x6a: {  	v60 =	vld [tilespmem:$0x3820]  }
0x6b: {  	v24 =	vld [tilespmem:$0x37F0];
	v15 =	vadd.f32 v16, v15  }
0x6c: {  	v16 =	vld [tilespmem:$0x3870]  }
0x6d: {  	v25 =	vld [tilespmem:$0x3840];
	v15 =	vadd.f32 v18, v15  }
0x6e: {  	v61 =	vld [tilespmem:$0x3680];
	v6 =	vadd.f32 v7, v6  }
0x6f: {  	v7 =	vld [tilespmem:$0x3620];
	v15 =	vadd.f32 v60, v15  }
0x70: {  	v6 =	vadd.f32 v8, v6;
	v18 =	vld [tilespmem:$0x3670]  }
0x71: {  	v8 =	vld [tilespmem:$0x3630];
	v15 =	vadd.f32 v16, v15  }
0x72: {  	v6 =	vadd.f32 v9, v6;
	v9 =	vld [tilespmem:$0x36C0]  }
0x73: {  	v16 =	vld [tilespmem:$0x36D0];
	v26 =	vperm.xlane v15, v0  }
0x74: {  	v6 =	vadd.f32 v10, v6;
	v10 =	vadd.f32 v17, v14;
	v14 =	vld [tilespmem:$0x3710]  }
0x75: {  	v17 =	vld [tilespmem:$0x3720];
	v7 =	vadd.f32 v18, v7;
	v15 =	vadd.f32 v26, v15  }
0x76: {  	v8 =	vadd.f32 v61, v8;
	v10 =	vadd.f32 v19, v10;
	v18 =	vld [tilespmem:$0x3760]  }
0x77: {  	v6 =	vadd.f32 v11, v6;
	v7 =	vadd.f32 v9, v7;
	v9 =	vld [tilespmem:$0x3770];
	v11 =	vperm.xlane v15, v2  }
0x78: {  	v10 =	vadd.f32 v59, v10;
	v8 =	vadd.f32 v16, v8;
	v16 =	vld [tilespmem:$0x37B0]  }
0x79: {  	v7 =	vadd.f32 v14, v7;
	v14 =	vld [tilespmem:$0x37C0];
	v11 =	vadd.f32 v11, v15  }
0x7a: {  	v10 =	vadd.f32 v22, v10;
	v8 =	vadd.f32 v17, v8;
	v15 =	vld [tilespmem:$0x3800]  }
0x7b: {  	v6 =	vadd.f32 v12, v6;
	v12 =	vld [tilespmem:$0x3810];
	v7 =	vadd.f32 v18, v7;
	v17 =	vperm.xlane v11, v3  }
0x7c: {  	v10 =	vadd.f32 v23, v10;
	v18 =	vld [tilespmem:$0x3850];
	v8 =	vadd.f32 v9, v8  }
0x7d: {  	v9 =	vld [tilespmem:$0x3860];
	v7 =	vadd.f32 v16, v7;
	v11 =	vadd.f32 v17, v11  }
0x7e: {  	v10 =	vadd.f32 v24, v10;
	v8 =	vadd.f32 v14, v8  }
0x7f: {  	v6 =	vadd.f32 v13, v6;
	v7 =	vadd.f32 v15, v7;
	v13 =	vperm.xlane v11, v4  }
0x80: {  	v10 =	vadd.f32 v25, v10;
	v8 =	vadd.f32 v12, v8  }
0x81: {  	[tilespmem:$0x3500] =	vst v6;
	v7 =	vadd.f32 v18, v7;
	v6 =	vadd.f32 v13, v11  }
0x82: {  	[tilespmem:$0x3510] =	vst v10;
	v8 =	vadd.f32 v9, v8  }
0x83: {  	[tilespmem:$0x3520] =	vst v7;
	v7 =	vmul.f32 $1.736111120e-03, v6  }
0x84: {  	[tilespmem:$0x3530] =	vst v8  }
0x85: {  	[tilespmem:$0x3480] =	vst v7  }
0x86: {  	[tilespmem:$0x3490] =	vst v7  }
0x87: {  	[tilespmem:$0x34A0] =	vst v7  }
0x88: {  	[tilespmem:$0x34B0] =	vst v7  }
0x89: {  	v9 =	vld [tilespmem:s10+$0x3500]  }
0x8a: {  	v8 =	vld [tilespmem:s10+$0x3501]  }
0x8b: {  	v7 =	vld [tilespmem:s10+$0x3502]  }
0x8c: {  	v10 =	vld [tilespmem:s10+$0x3503]  }
0x8d: {  	v11 =	vld [tilespmem:s10+$0x3504]  }
0x8e: {  	v12 =	vld [tilespmem:s10+$0x3505]  }
0x8f: {  	v13 =	vld [tilespmem:s10+$0x3506]  }
0x90: {  	s0 =	simm.s32 $0x0;
	v14 =	vld [tilespmem:s10+$0x3507];
	_ =	swait.ge [sflag:s31], $0x1000  }
0x91: {  	s4 =	sand.u32 $0x70, s0;
	s5 =	sand.u32 $0xC00, s0;
	[sflag:s31] =	ssyncset.done $0x0  }
0x92: {  	s4 =	sor.u32 s4, s5;
	[sflag:s31] =	ssyncadd.s32 $0xFFFFF000  }
0x93: {  	v15 =	vld [tilespmem:s4+$0x1580]  }
0x94: {  	v16 =	vld [tilespmem:s4+$0x1500]  }
0x95: {  	v17 =	vld [tilespmem:s4+$0x1480];
	_ =	sdelay $0x2  }
0x96: {  	v7 =	vperm.xlane v7, v5;
	v15 =	vmul.f32 v15, v6  }
0x97: {  	v8 =	vperm.xlane v8, v5;
	v16 =	vmul.f32 v16, v6  }
0x98: {  	v9 =	vperm.xlane v9, v5;
	v17 =	vmul.f32 v17, v6;
	v15 =	vsub.f32 v7, v15  }
0x99: {  	v16 =	vsub.f32 v8, v16  }
0x9a: {  	v17 =	vsub.f32 v9, v17;
	[tilespmem:s4+$0x2580] =	vst v15  }
0x9b: {  	s5 =	sor.u32 s5, s0;
	[tilespmem:s4+$0x2500] =	vst v16  }
0x9c: {  	s5 =	sor.u32 $0x180, s5;
	[tilespmem:s4+$0x2480] =	vst v17  }
0x9d: {  	v18 =	vld [tilespmem:s5+$0x1480];
	_ =	sdelay $0x4  }
0x9e: {  	v10 =	vperm.xlane v10, v5;
	v18 =	vmul.f32 v18, v6;
	_ =	sdelay $0x1  }
0x9f: {  	v18 =	vsub.f32 v10, v18;
	_ =	sdelay $0x1  }
0xa0: {  	[tilespmem:s5+$0x2480] =	vst v18  }
0xa1: {  	v19 =	vld [tilespmem:s4+$0x1780]  }
0xa2: {  	v62 =	vld [tilespmem:s4+$0x1680]  }
0xa3: {  	v63 =	vld [tilespmem:s4+$0x1700];
	_ =	sdelay $0x1  }
0xa4: {  	v11 =	vperm.xlane v11, v5;
	v12 =	vperm.xlane v12, v5  }
0xa5: {  	v13 =	vperm.xlane v13, v5;
	v19 =	vmul.f32 v19, v6  }
0xa6: {  	v17 =	vmul.f32 v17, v17;
	v20 =	vmul.f32 v62, v6  }
0xa7: {  	v16 =	vmul.f32 v16, v16;
	v21 =	vmul.f32 v63, v6;
	v19 =	vsub.f32 v13, v19  }
0xa8: {  	v20 =	vsub.f32 v11, v20  }
0xa9: {  	v15 =	vmul.f32 v15, v15;
	v16 =	vadd.f32 v16, v17;
	v17 =	vsub.f32 v12, v21;
	[tilespmem:s4+$0x2780] =	vst v19  }
0xaa: {  	s30 =	sor.u32 s0, s0;
	[tilespmem:s4+$0x2680] =	vst v20  }
0xab: {  	v15 =	vadd.f32 v15, v16;
	v18 =	vmul.f32 v18, v18;
	s5 =	sor.u32 $0x380, s30;
	[tilespmem:s4+$0x2700] =	vst v17  }
0xac: {  	v16 =	vld [tilespmem:s5+$0x1480]  }
0xad: {  	v15 =	vadd.f32 v18, v15;
	v18 =	vmul.f32 v20, v20;
	_ =	sdelay $0x1  }
0xae: {  	v17 =	vmul.f32 v17, v17;
	v15 =	vadd.f32 v18, v15;
	_ =	sdelay $0x1  }
0xaf: {  	v14 =	vperm.xlane v14, v5;
	v17 =	vadd.f32 v17, v15;
	v15 =	vmul.f32 v16, v6  }
0xb0: {  	v16 =	vmul.f32 v19, v19  }
0xb1: {  	v15 =	vsub.f32 v14, v15  }
0xb2: {  	s28 =	simm.s32 $0x10;
	s25 =	simm.s32 $0x3880;
	s26 =	simm.s32 $0x3880;
	v16 =	vadd.f32 v16, v17  }
.LBB2_4:
0xb3: {  	p0 =	sne.s32 s28, $0x1F0;
	v17 =	vmul.f32 v15, v15;
	s0 =	sadd.s32 $0x80, s0;
	s25 =	sadd.s32 $0x10, s25  }
0xb4: {  	s30 =	smov.u32 s28;
	s28 =	sadd.s32 $0x10, s28  }
0xb5: {  	[tilespmem:s5+$0x2480] =	vst v15;
	v15 =	vadd.f32 v17, v16  }
0xb6: {  	s4 =	sand.u32 $0x70, s30;
	s5 =	sand.u32 $0xC00, s0  }
0xb7: {  	s4 =	sor.u32 s4, s5;
	s5 =	sor.u32 s5, s30;
	[tilespmem:s26+$0x0] =	vst v15;
	s26 =	smov.u32 s25  }
0xb8: {  	v15 =	vld [tilespmem:s4+$0x1580]  }
0xb9: {  	v16 =	vld [tilespmem:s4+$0x1500]  }
0xba: {  	v17 =	vld [tilespmem:s4+$0x1480];
	_ =	sdelay $0x2  }
0xbb: {  	v15 =	vmul.f32 v15, v6  }
0xbc: {  	v16 =	vmul.f32 v16, v6  }
0xbd: {  	v17 =	vmul.f32 v17, v6;
	v15 =	vsub.f32 v7, v15  }
0xbe: {  	v16 =	vsub.f32 v8, v16  }
0xbf: {  	v17 =	vsub.f32 v9, v17;
	[tilespmem:s4+$0x2580] =	vst v15  }
0xc0: {  	[tilespmem:s4+$0x2500] =	vst v16  }
0xc1: {  	s5 =	sor.u32 $0x180, s5;
	v16 =	vmul.f32 v16, v16;
	[tilespmem:s4+$0x2480] =	vst v17;
	v17 =	vmul.f32 v17, v17  }
0xc2: {  	v18 =	vld [tilespmem:s5+$0x1480]  }
0xc3: {  	v16 =	vadd.f32 v16, v17;
	_ =	sdelay $0x3  }
0xc4: {  	v17 =	vmul.f32 v18, v6;
	_ =	sdelay $0x1  }
0xc5: {  	v17 =	vsub.f32 v10, v17;
	_ =	sdelay $0x1  }
0xc6: {  	[tilespmem:s5+$0x2480] =	vst v17;
	v17 =	vmul.f32 v17, v17  }
0xc7: {  	v18 =	vld [tilespmem:s4+$0x1780]  }
0xc8: {  	v19 =	vld [tilespmem:s4+$0x1680]  }
0xc9: {  	v20 =	vld [tilespmem:s4+$0x1700];
	_ =	sdelay $0x2  }
0xca: {  	v18 =	vmul.f32 v18, v6  }
0xcb: {  	v15 =	vmul.f32 v15, v15;
	v19 =	vmul.f32 v19, v6  }
0xcc: {  	v20 =	vmul.f32 v20, v6;
	v18 =	vsub.f32 v13, v18  }
0xcd: {  	v15 =	vadd.f32 v15, v16;
	v16 =	vsub.f32 v11, v19  }
0xce: {  	s5 =	sor.u32 s0, s30;
	v19 =	vsub.f32 v12, v20;
	[tilespmem:s4+$0x2780] =	vst v18  }
0xcf: {  	s5 =	sor.u32 $0x380, s5;
	v15 =	vadd.f32 v17, v15;
	[tilespmem:s4+$0x2680] =	vst v16;
	v16 =	vmul.f32 v16, v16  }
0xd0: {  	[tilespmem:s4+$0x2700] =	vst v19  }
0xd1: {  	v15 =	vadd.f32 v16, v15;
	v16 =	vmul.f32 v19, v19;
	v17 =	vld [tilespmem:s5+$0x1480];
	_ =	sdelay $0x1  }
0xd2: {  	v16 =	vadd.f32 v16, v15;
	_ =	sdelay $0x1  }
.Ltmp1:
0xd3: {  	(pc) =	sbr.rel @p0 .LBB2_4-.Ltmp1, $4  }
0xd4: {  	v15 =	vmul.f32 v17, v6  }
0xd5: {  	v17 =	vmul.f32 v18, v18  }
0xd6: {  	v15 =	vsub.f32 v14, v15  }
0xd7: {  	v16 =	vadd.f32 v17, v16  }
0xd8: {  	v6 =	vmul.f32 v15, v15;
	_ =	sdelay $0x1  }
0xd9: {  	v6 =	vadd.f32 v6, v16  }
0xda: {  	[tilespmem:s5+$0x2480] =	vst v15  }
0xdb: {  	s0 =	simm.s32 $0x3880;
	[tilespmem:s26+$0x0] =	vst v6  }
0xdc: {  	[spmem:s11] =	stream.linear.scatter [tilespmem:s0], [sflag:$0x3], $0x200, $0x38;
	[tilespmem:$0x4190] =	vst v63  }
0xdd: {  	_ =	swait.ge [sflag:s29], $0x200  }
0xde: {  	[sflag:s29] =	ssyncset.done $0x0  }
0xdf: {  	[sflag:s29] =	ssyncadd.s32 $0xFFFFFE00  }
0xe0: {  	s5 =	simm.s32 $0x3A80;
	[bflag:$0x0] =	sbarrier.arrive $0xFFFF  }
0xe1: {  	[tilespmem:s5], [sflag:$0x1] =	stream.linear.gather [spmem:s12], $0x40, $0x38;
	[tilespmem:$0x4190] =	vst v63  }
0xe2: {  	s25 =	simm.s32 $0x3AC0  }
0xe3: {  	[tilespmem:s25], [sflag:$0x1] =	stream.linear.gather [spmem:s13], $0x40, $0x38;
	[tilespmem:$0x4190] =	vst v63  }
0xe4: {  	s26 =	simm.s32 $0x3B00  }
0xe5: {  	[tilespmem:s26], [sflag:$0x1] =	stream.linear.gather [spmem:s14], $0x40, $0x38;
	[tilespmem:$0x4190] =	vst v63  }
0xe6: {  	s28 =	simm.s32 $0x3B40  }
0xe7: {  	[tilespmem:s28], [sflag:$0x1] =	stream.linear.gather [spmem:s17], $0x40, $0x38;
	[tilespmem:$0x4190] =	vst v63  }
0xe8: {  	s30 =	simm.s32 $0x3B80  }
0xe9: {  	[tilespmem:s30], [sflag:$0x1] =	stream.linear.gather [spmem:s18], $0x40, $0x38;
	[tilespmem:$0x4190] =	vst v63  }
0xea: {  	s4 =	simm.s32 $0x3BC0  }
0xeb: {  	[tilespmem:s4], [sflag:$0x1] =	stream.linear.gather [spmem:s19], $0x40, $0x38;
	[tilespmem:$0x4190] =	vst v63  }
0xec: {  	s5 =	simm.s32 $0x3C00  }
0xed: {  	[tilespmem:s5], [sflag:$0x1] =	stream.linear.gather [spmem:s21], $0x40, $0x38;
	[tilespmem:$0x4190] =	vst v63  }
0xee: {  	s25 =	simm.s32 $0x3C40  }
0xef: {  	[tilespmem:s25], [sflag:$0x1] =	stream.linear.gather [spmem:s23], $0x40, $0x38;
	[tilespmem:$0x4190] =	vst v63  }
0xf0: {  	_ =	swait.ge [sflag:s3], $0x40  }
0xf1: {  	[sflag:s3] =	ssyncset.done $0x0  }
0xf2: {  	[sflag:s3] =	ssyncadd.s32 $0xFFFFFFC0  }
0xf3: {  	_ =	swait.ge [sflag:s3], $0x40  }
0xf4: {  	[sflag:s3] =	ssyncset.done $0x0  }
0xf5: {  	[sflag:s3] =	ssyncadd.s32 $0xFFFFFFC0  }
0xf6: {  	_ =	swait.ge [sflag:s3], $0x40  }
0xf7: {  	[sflag:s3] =	ssyncset.done $0x0  }
0xf8: {  	[sflag:s3] =	ssyncadd.s32 $0xFFFFFFC0  }
0xf9: {  	_ =	swait.ge [sflag:s3], $0x40  }
0xfa: {  	[sflag:s3] =	ssyncset.done $0x0  }
0xfb: {  	[sflag:s3] =	ssyncadd.s32 $0xFFFFFFC0  }
0xfc: {  	_ =	swait.ge [sflag:s3], $0x40  }
0xfd: {  	[sflag:s3] =	ssyncset.done $0x0  }
0xfe: {  	[sflag:s3] =	ssyncadd.s32 $0xFFFFFFC0  }
0xff: {  	_ =	swait.ge [sflag:s3], $0x40  }
0x100: {  	[sflag:s3] =	ssyncset.done $0x0  }
0x101: {  	[sflag:s3] =	ssyncadd.s32 $0xFFFFFFC0  }
0x102: {  	_ =	swait.ge [sflag:s3], $0x40  }
0x103: {  	[sflag:s3] =	ssyncset.done $0x0  }
0x104: {  	[sflag:s3] =	ssyncadd.s32 $0xFFFFFFC0  }
0x105: {  	_ =	swait.ge [sflag:s3], $0x40  }
0x106: {  	[sflag:s3] =	ssyncset.done $0x0  }
0x107: {  	[sflag:s3] =	ssyncadd.s32 $0xFFFFFFC0  }
0x108: {  	v6 =	vld [tilespmem:$0x3A80]  }
0x109: {  	v7 =	vld [tilespmem:$0x3AC0]  }
0x10a: {  	v8 =	vld [tilespmem:$0x3B00]  }
0x10b: {  	v9 =	vld [tilespmem:$0x3B40]  }
0x10c: {  	v10 =	vld [tilespmem:$0x3B80]  }
0x10d: {  	v11 =	vld [tilespmem:$0x3BC0]  }
0x10e: {  	v12 =	vld [tilespmem:$0x3C00]  }
0x10f: {  	v13 =	vld [tilespmem:$0x3C40]  }
0x110: {  	v14 =	vld [tilespmem:$0x3A90]  }
0x111: {  	v62 =	vld [tilespmem:$0x3AD0]  }
0x112: {  	v63 =	vld [tilespmem:$0x3B10]  }
0x113: {  	v17 =	vld [tilespmem:$0x3B50]  }
0x114: {  	v18 =	vld [tilespmem:$0x3B90]  }
0x115: {  	v19 =	vld [tilespmem:$0x3BD0]  }
0x116: {  	v20 =	vld [tilespmem:$0x3C10]  }
0x117: {  	v21 =	vld [tilespmem:$0x3C50]  }
0x118: {  	v22 =	vld [tilespmem:$0x3AA0]  }
0x119: {  	v23 =	vld [tilespmem:$0x3AE0]  }
0x11a: {  	v24 =	vld [tilespmem:$0x3AF0];
	v6 =	vadd.f32 v7, v6  }
0x11b: {  	v7 =	vld [tilespmem:$0x3AB0]  }
0x11c: {  	v14 =	vadd.f32 v62, v14;
	v6 =	vadd.f32 v8, v6;
	v8 =	vld [tilespmem:$0x3B20]  }
0x11d: {  	v27 =	vld [tilespmem:$0x3B30]  }
0x11e: {  	v28 =	vld [tilespmem:$0x3B60];
	v14 =	vadd.f32 v63, v14  }
0x11f: {  	v30 =	vld [tilespmem:$0x3B70];
	v29 =	vadd.f32 v23, v22;
	v6 =	vadd.f32 v9, v6  }
0x120: {  	v31 =	vld [tilespmem:$0x3BA0];
	v14 =	vadd.f32 v17, v14;
	v7 =	vadd.f32 v24, v7  }
0x121: {  	v32 =	vld [tilespmem:$0x3BB0];
	v6 =	vadd.f32 v10, v6;
	v8 =	vadd.f32 v8, v29  }
0x122: {  	v33 =	vld [tilespmem:$0x3BE0];
	v14 =	vadd.f32 v18, v14;
	v7 =	vadd.f32 v27, v7  }
0x123: {  	v34 =	vld [tilespmem:$0x3BF0];
	v6 =	vadd.f32 v11, v6;
	v8 =	vadd.f32 v28, v8  }
0x124: {  	v35 =	vld [tilespmem:$0x3C20];
	v14 =	vadd.f32 v19, v14;
	v7 =	vadd.f32 v30, v7  }
0x125: {  	v36 =	vld [tilespmem:$0x3C30];
	v6 =	vadd.f32 v12, v6;
	v8 =	vadd.f32 v31, v8  }
0x126: {  	v37 =	vld [tilespmem:$0x3C60];
	v14 =	vadd.f32 v20, v14;
	v7 =	vadd.f32 v32, v7  }
0x127: {  	v38 =	vld [tilespmem:$0x3C70];
	v6 =	vadd.f32 v13, v6;
	v8 =	vadd.f32 v33, v8  }
0x128: {  	v14 =	vadd.f32 v21, v14;
	v7 =	vadd.f32 v34, v7  }
0x129: {  	v39 =	vshrl.u32 v6, $0x1;
	v8 =	vadd.f32 v35, v8  }
0x12a: {  	v40 =	vmul.f32 $5.000000000e-01, v6;
	v41 =	vshrl.u32 v14, $0x1;
	v7 =	vadd.f32 v36, v7  }
0x12b: {  	v42 =	vmul.f32 $5.000000000e-01, v14;
	v9 =	vsub.s32 $0x5F3759DF, v39;
	v8 =	vadd.f32 v37, v8  }
0x12c: {  	v10 =	vsub.s32 $0x5F3759DF, v41;
	v43 =	vmul.f32 v9, v40;
	v7 =	vadd.f32 v38, v7  }
0x12d: {  	v44 =	vmul.f32 v10, v42;
	v45 =	vshrl.u32 v8, $0x1;
	v46 =	vmul.f32 $5.000000000e-01, v8  }
0x12e: {  	v47 =	vshrl.u32 v7, $0x1;
	v48 =	vmul.f32 $5.000000000e-01, v7;
	v16 =	vsub.s32 $0x5F3759DF, v45  }
0x12f: {  	v13 =	vmul.f32 v9, v43;
	v18 =	vsub.s32 $0x5F3759DF, v47;
	v49 =	vmul.f32 v16, v46  }
0x130: {  	v11 =	vmul.f32 v10, v44;
	v50 =	vmul.f32 v18, v48  }
0x131: {  	v13 =	vsub.f32 $1.500000000e+00, v13;
	v20 =	vmul.f32 v16, v49  }
0x132: {  	v11 =	vsub.f32 $1.500000000e+00, v11;
	v21 =	vmul.f32 v18, v50  }
0x133: {  	v9 =	vmul.f32 v9, v13;
	v51 =	vsub.f32 $1.500000000e+00, v20  }
0x134: {  	v10 =	vmul.f32 v10, v11;
	v52 =	vsub.f32 $1.500000000e+00, v21  }
0x135: {  	v12 =	vmul.f32 v9, v40;
	v13 =	vmul.f32 v16, v51  }
0x136: {  	v15 =	vmul.f32 v10, v42;
	v11 =	vmul.f32 v18, v52  }
0x137: {  	v12 =	vmul.f32 v12, v9;
	v16 =	vmul.f32 v13, v46  }
0x138: {  	v15 =	vmul.f32 v15, v10;
	v53 =	vmul.f32 v11, v48  }
0x139: {  	v12 =	vsub.f32 $1.500000000e+00, v12;
	v16 =	vmul.f32 v16, v13  }
0x13a: {  	v15 =	vsub.f32 $1.500000000e+00, v15;
	v17 =	vmul.f32 v53, v11  }
0x13b: {  	v9 =	vmul.f32 v12, v9;
	v54 =	vsub.f32 $1.500000000e+00, v16  }
0x13c: {  	v10 =	vmul.f32 v15, v10;
	v55 =	vsub.f32 $1.500000000e+00, v17  }
0x13d: {  	v6 =	vmul.f32 v9, v6;
	v56 =	vmul.f32 v54, v13  }
0x13e: {  	v10 =	vmul.f32 v10, v14;
	v11 =	vmul.f32 v55, v11  }
0x13f: {  	v6 =	vadd.f32 $9.999999970e-07, v6;
	v8 =	vmul.f32 v56, v8  }
0x140: {  	v57 =	vadd.f32 $9.999999970e-07, v10;
	v7 =	vmul.f32 v11, v7  }
0x141: {  	(erf) = vrcp.f32 v6;
	v6 =	vadd.f32 $9.999999970e-07, v8  }
0x142: {  	(erf) = vrcp.f32 v57;
	v7 =	vadd.f32 $9.999999970e-07, v7  }
0x143: {  	(erf) = vrcp.f32 v6  }
0x144: {  	(erf) = vrcp.f32 v7;
	_ =	sdelay $0x5  }
0x145: {  	v6 =	vpop (erf)  }
0x146: {  	v7 =	vpop (erf);
	[tilespmem:$0x3C80] =	vst v6  }
0x147: {  	[tilespmem:$0x3C90] =	vst v7;
	v6 =	vpop (erf)  }
0x148: {  	[tilespmem:$0x3CA0] =	vst v6;
	v6 =	vpop (erf)  }
0x149: {  	s26 =	simm.s32 $0x3C80;
	[tilespmem:$0x3CB0] =	vst v6  }
0x14a: {  	[spmem:s15] =	stream.linear.scatter [tilespmem:s26], [sflag:$0x3], $0x40, $0x38;
	[tilespmem:$0x4190] =	vst v63  }
0x14b: {  	_ =	swait.ge [sflag:s29], $0x40  }
0x14c: {  	[sflag:s29] =	ssyncset.done $0x0  }
0x14d: {  	[sflag:s29] =	ssyncadd.s32 $0xFFFFFFC0  }
0x14e: {  	s0 =	simm.s32 $0x3D00;
	[bflag:$0x0] =	sbarrier.arrive $0xFFFF  }
0x14f: {  	[tilespmem:s0], [sflag:$0x3] =	stream.linear.gather [spmem:s16], $0x200, $0x38;
	[tilespmem:$0x4190] =	vst v63  }
0x150: {  	_ =	swait.ge [sflag:s29], $0x200  }
0x151: {  	s25 =	simm.s32 $0x0;
	[sflag:s29] =	ssyncset.done $0x0  }
0x152: {  	s4 =	sand.u32 $0x70, s25;
	s28 =	sand.u32 $0xC00, s25;
	[sflag:s29] =	ssyncadd.s32 $0xFFFFFE00  }
0x153: {  	s4 =	sor.u32 s4, s28;
	v6 =	vld [tilespmem:s0+$0x0]  }
0x154: {  	v7 =	vld [tilespmem:s4+$0x2780]  }
0x155: {  	v8 =	vld [tilespmem:s4+$0x2580]  }
0x156: {  	v58 =	vld [tilespmem:s4+$0x2600]  }
0x157: {  	v61 =	vld [tilespmem:s4+$0x2680]  }
0x158: {  	v59 =	vld [tilespmem:s4+$0x2700]  }
0x159: {  	v60 =	vld [tilespmem:s4+$0x2500];
	v7 =	vmul.f32 v7, v6  }
0x15a: {  	v62 =	vld [tilespmem:s4+$0x2480];
	v8 =	vmul.f32 v8, v6  }
0x15b: {  	v9 =	vmul.f32 v58, v6;
	[tilespmem:s4+$0x2780] =	vst v7  }
0x15c: {  	v63 =	vmul.f32 v61, v6;
	[tilespmem:s4+$0x2580] =	vst v8  }
0x15d: {  	v7 =	vmul.f32 v59, v6;
	[tilespmem:s4+$0x2600] =	vst v9  }
0x15e: {  	v8 =	vmul.f32 v60, v6;
	[tilespmem:s4+$0x2680] =	vst v63  }
0x15f: {  	[tilespmem:s4+$0x2700] =	vst v7;
	v7 =	vmul.f32 v62, v6  }
0x160: {  	s30 =	sor.u32 s25, s25;
	[tilespmem:s4+$0x2500] =	vst v8  }
0x161: {  	s5 =	sor.u32 $0x380, s30;
	[tilespmem:s4+$0x2480] =	vst v7  }
0x162: {  	s4 =	simm.s32 $0x10;
	v7 =	vld [tilespmem:s5+$0x2480]  }
.LBB2_6:
0x163: {  	p0 =	sne.s32 s4, $0x1F0;
	s25 =	sadd.s32 $0x80, s25;
	s0 =	sadd.s32 $0x10, s0  }
0x164: {  	s26 =	smov.u32 s4;
	s4 =	sadd.s32 $0x10, s4;
	_ =	sdelay $0x2  }
0x165: {  	v6 =	vmul.f32 v7, v6;
	_ =	sdelay $0x1  }
0x166: {  	[tilespmem:s5+$0x2480] =	vst v6  }
0x167: {  	s28 =	sand.u32 $0xC00, s25;
	s5 =	sand.u32 $0x70, s26  }
0x168: {  	s5 =	sor.u32 s5, s28;
	v6 =	vld [tilespmem:s0+$0x0]  }
0x169: {  	v7 =	vld [tilespmem:s5+$0x2780]  }
0x16a: {  	v8 =	vld [tilespmem:s5+$0x2580]  }
0x16b: {  	v9 =	vld [tilespmem:s5+$0x2600]  }
0x16c: {  	v10 =	vld [tilespmem:s5+$0x2700]  }
0x16d: {  	v11 =	vld [tilespmem:s5+$0x2500]  }
0x16e: {  	v12 =	vld [tilespmem:s5+$0x2680];
	v7 =	vmul.f32 v7, v6  }
0x16f: {  	v13 =	vld [tilespmem:s5+$0x2480];
	v8 =	vmul.f32 v8, v6  }
0x170: {  	v9 =	vmul.f32 v9, v6;
	[tilespmem:s5+$0x2780] =	vst v7  }
0x171: {  	[tilespmem:s5+$0x2580] =	vst v8;
	v7 =	vmul.f32 v10, v6  }
0x172: {  	v8 =	vmul.f32 v11, v6;
	[tilespmem:s5+$0x2600] =	vst v9  }
.Ltmp2:
0x173: {  	v9 =	vmul.f32 v12, v6;
	[tilespmem:s5+$0x2700] =	vst v7;
	(pc) =	sbr.rel @p0 .LBB2_6-.Ltmp2, $4  }
0x174: {  	v7 =	vmul.f32 v13, v6;
	[tilespmem:s5+$0x2500] =	vst v8  }
0x175: {  	s26 =	sor.u32 s25, s26;
	[tilespmem:s5+$0x2680] =	vst v9  }
0x176: {  	[tilespmem:s5+$0x2480] =	vst v7;
	s5 =	sor.u32 $0x380, s26  }
0x177: {  	v7 =	vld [tilespmem:s5+$0x2480]  }
0x178: {  	_ =	sdelay $0x3  }
0x179: {  	v6 =	vmul.f32 v7, v6;
	_ =	sdelay $0x1  }
0x17a: {  	s0 =	simm.s32 $0x2480;
	[tilespmem:s5+$0x2480] =	vst v6  }
0x17b: {  	[hbm4b:s20+s2] =	stream.linear.scatter [tilespmem:s0], [sflag:$0x1], $0x1000, $0x38;
	[tilespmem:$0x4190] =	vst v63  }
0x17c: {  	s30 =	simm.s32 $0x3480;
	s1 =	sadd.s32 $0x1, s1  }
0x17d: {  	[hbm4b:s22+s2] =	stream.linear.scatter [tilespmem:s30], [sflag:$0x1], $0x40, $0x38;
	[tilespmem:$0x4190] =	vst v63  }
0x17e: {  	p0 =	sne.s32 s1, s24;
	_ =	swait.ge [sflag:s3], $0x1000  }
.Ltmp3:
0x17f: {  	[sflag:s3] =	ssyncset.done $0x0;
	(pc) =	sbr.rel @p0 .LBB2_1-.Ltmp3, $4  }
0x180: {  	[sflag:s3] =	ssyncadd.s32 $0xFFFFF000  }
0x181: {  	_ =	swait.ge [sflag:s3], $0x40  }
0x182: {  	[sflag:s3] =	ssyncset.done $0x0  }
0x183: {  	[sflag:s3] =	ssyncadd.s32 $0xFFFFFFC0  }
0x184: {  	_ =	sfence.sel $0x180000  }
0x185: {  	[bflag:$0x0] =	sbarrier.arrive $0xFFFF  }
0x186: {  	_ =	strace $0x90000047  }
0x187: {  	s0 =	stileid.u32;
	[bflag:$0x2] =	sbarrier.arrive $0xFFFF  }
0x188: {  	p0 =	sne.s32 s0, $0x0;
	s0 =	rddreg [dreg:$0x7]  }
0x189: {  	s0 =	sadd.s32 @!p0 $0x100000, s0  }
0x18a: {  	[sflag:s0] =	ssyncadd.tile.s32 @!p0 $0x1;
	_ =	shalt  }
.Lfunc_end2:
_tile_overlayer_lowered:
.L_overlay_start_2:
0x18b: {  	(tag) =	ssettag $0x2  }
0x18c: {  	s0 =	rddreg [dreg:$0x0];
	s2 =	stileid.u32  }
0x18d: {  	s1 =	rddreg [dreg:$0x1];
	p0 =	sne.s32 s2, $0x0  }
0x18e: {  	s3 =	rddreg [dreg:$0x2];
	[bflag:$0x3] =	sbarrier.arrive $0xFFFF;
	s2 =	simm.s32 @!p0 $0x1C03  }
0x18f: {  	[timem:s3], [sflag:s2] =	dma.local @!p0 [hbm:s0], s1  }
0x190: {  	s0 =	simm.s32 @!p0 $0x3  }
0x191: {  	_ =	swait.ge @!p0 [sflag:s0], s1  }
0x192: {  	s1 =	ssub.s32 @!p0 $0x0, s1;
	[sflag:s0] =	ssyncset.done @!p0 $0x0  }
0x193: {  	[sflag:s0] =	ssyncadd.s32 @!p0 s1  }
0x194: {  	[bflag:$0x3] =	sbarrier.arrive $0xFFFF  }
0x195: {  	_ =	shalt  }

</sc_bundles>
